<compile_context>
chip_gen: v7x
topology: tpu7x:2x2x1
jax: 0.10.2.dev20260603
libtpu: 0.0.44.dev20260713+nightly
codegen_flags: <defaults>
</compile_context>

<pallas_src>
import jax
import jax.numpy as jnp
from jax import lax
from jax.experimental import pallas as pl
from jax.experimental.pallas import tpu as pltpu
from jax.experimental.pallas import tpu_sc as plsc

_N = 10000
_E = 320000
_D = 128

_NSC = 2
_NTEC = 16
_CHUNK = 128
_CPS = 157
_RPT = 640
_ZR = 80

_LANES = 16
_VPR = _D // _LANES


def _sc_spmm_body(x_hbm, sd_hbm, w_hbm, out_hbm,
                  rows_v, sd_v, w_v, acc_sh, gsem):
    c = lax.axis_index("c")
    s = lax.axis_index("s")

    def _zero_row(r, _):
        for j in range(_VPR):
            rows_v[r, pl.ds(j * _LANES, _LANES)] = jnp.zeros(
                (_LANES,), jnp.float32)
        return 0

    lax.fori_loop(0, _ZR, _zero_row, 0)

    @pl.when(s < _NTEC - 1)
    def _zero_full():
        for r in range(_RPT // _ZR):
            pltpu.sync_copy(rows_v.at[pl.ds(0, _ZR)],
                            acc_sh.at[pl.ds(s * _RPT + r * _ZR, _ZR)])

    @pl.when(s == _NTEC - 1)
    def _zero_tail():
        for r in range((_N - (_NTEC - 1) * _RPT) // _ZR):
            pltpu.sync_copy(rows_v.at[pl.ds(0, _ZR)],
                            acc_sh.at[pl.ds(s * _RPT + r * _ZR, _ZR)])

    plsc.subcore_barrier()

    pltpu.sync_copy(w_hbm.at[c, s], w_v)

    def _slot(t, _):
        pltpu.sync_copy(sd_hbm.at[c, s, t], sd_v)

        def _group(g, _):
            wvec = w_v[pl.ds(t * _CHUNK + g * _LANES, _LANES)]
            for k in range(_LANES):
                e = g * _LANES + k
                wv = jnp.full((_LANES,), wvec[k])
                for j in range(_VPR):
                    sl = pl.ds(j * _LANES, _LANES)
                    rows_v[e, sl] = rows_v[e, sl] * wv
            return 0

        return 0

    lax.fori_loop(0, _CPS, _slot, 0)
    plsc.subcore_barrier()

    @pl.when(s < _NTEC - 1)
    def _write_full():
        pltpu.sync_copy(acc_sh.at[pl.ds(s * _RPT, _RPT)],
                        out_hbm.at[c, pl.ds(s * _RPT, _RPT)])

    @pl.when(s == _NTEC - 1)
    def _write_tail():
        tail = _N - (_NTEC - 1) * _RPT
        pltpu.sync_copy(acc_sh.at[pl.ds((_NTEC - 1) * _RPT, tail)],
                        out_hbm.at[c, pl.ds((_NTEC - 1) * _RPT, tail)])


def _sc_spmm(x, sd, w):
    return pl.kernel(
        _sc_spmm_body,
        out_type=jax.ShapeDtypeStruct((_NSC, _N, _D), jnp.float32),
        mesh=plsc.VectorSubcoreMesh(core_axis_name="c",
                                    subcore_axis_name="s"),
        scratch_types=[
            pltpu.VMEM((_CHUNK, _D), jnp.float32),
            pltpu.VMEM((2, _CHUNK), jnp.int32),
            pltpu.VMEM((_CPS * _CHUNK,), jnp.float32),
            pltpu.VMEM_SHARED((_N, _D), jnp.float32),
            pltpu.SemaphoreType.DMA,
        ],
    )(x, sd, w)


_BLK = 1000
_SCALE = float(_D) ** 0.5


def _tc_readout_body(h_ref, a_ref, b_ref, w1_ref, b1_ref, w2_ref, b2_ref,
                     cw0_ref, cw1_ref, cb_ref, o_ref):
    hb = h_ref[...]
    a = a_ref[...]
    b = b_ref[...]
    t1 = jnp.maximum(
        jnp.dot(hb * a, w1_ref[...], preferred_element_type=jnp.float32)
        + b1_ref[...], 0.0)
    t2 = jnp.maximum(
        jnp.dot(hb * b, w2_ref[...], preferred_element_type=jnp.float32)
        + b2_ref[...], 0.0)
    s1 = jnp.sum(t1, axis=1, keepdims=True) * (1.0 / _SCALE)
    s2 = jnp.sum(t2, axis=1, keepdims=True) * (1.0 / _SCALE)
    m = jnp.maximum(s1, s2)
    e1 = jnp.exp(s1 - m)
    e2 = jnp.exp(s2 - m)
    r1 = e1 / (e1 + e2)
    nb = a * r1 + b * (1.0 - r1)
    o_ref[...] = hb * cw0_ref[...] + nb * cw1_ref[...] + cb_ref[...]


def _tc_readout(h, a, b, w1, b1, w2, b2, cw0, cw1, cb):
    full = pl.BlockSpec((_D, _D), lambda i: (0, 0))
    row = pl.BlockSpec((1, _D), lambda i: (0, 0))
    blk = pl.BlockSpec((_BLK, _D), lambda i: (i, 0))
    return pl.pallas_call(
        _tc_readout_body,
        grid=(_N // _BLK,),
        in_specs=[blk, blk, blk, full, row, full, row, row, row, row],
        out_specs=blk,
        out_shape=jax.ShapeDtypeStruct((_N, _D), jnp.float32),
    )(h, a, b, w1, b1, w2, b2, cw0, cw1, cb)


def kernel(x, edge_index_in, edge_weight_in, edge_index_out, edge_weight_out,
           W1_w, W1_b, W2_w, W2_b, conv_w, conv_b):
    pad = _CPS * _CHUNK * _NTEC - _E
    src = jnp.pad(jnp.stack([edge_index_in[1], edge_index_out[1]]),
                  ((0, 0), (0, pad))).reshape(_NSC, _NTEC, _CPS, 1, _CHUNK)
    dst = jnp.pad(jnp.stack([edge_index_in[0], edge_index_out[0]]),
                  ((0, 0), (0, pad))).reshape(_NSC, _NTEC, _CPS, 1, _CHUNK)
    sd = jnp.concatenate([src, dst], axis=3)
    w = jnp.pad(jnp.stack([edge_weight_in, edge_weight_out]),
                ((0, 0), (0, pad))).reshape(_NSC, _NTEC, _CPS * _CHUNK)

    nbrs = _sc_spmm(x, sd, w)

    out = _tc_readout(
        x, nbrs[0], nbrs[1],
        W1_w, W1_b.reshape(1, _D), W2_w, W2_b.reshape(1, _D),
        jnp.full((1, _D), conv_w[0]),
        jnp.full((1, _D), conv_w[1]),
        jnp.full((1, _D), conv_b))
    return out

# --- scband reference (transcript-rebuilt; emitter-appended) ---
"""Pipeline reference for scband-mrgsr-29566554865686 (READ-ONLY COPY).

The authoritative reference and input builder live on the scoring server;
editing this copy changes nothing except your own understanding.
"""

import jax, jax.numpy as jnp
import numpy as np

N = 10000
E = 320000
D = 128

def setup_inputs(seed: int = 0):
    key = jax.random.key(seed)
    ks = jax.random.split(key, 11)
    x = jax.random.normal(ks[0], (N, D), dtype=jnp.float32)
    edge_index_in = jax.random.randint(ks[1], (2, E), 0, N, dtype=jnp.int32)
    edge_weight_in = jax.random.uniform(ks[2], (E,), dtype=jnp.float32)
    edge_index_out = jax.random.randint(ks[3], (2, E), 0, N, dtype=jnp.int32)
    edge_weight_out = jax.random.uniform(ks[4], (E,), dtype=jnp.float32)
    stdv = 1.0 / np.sqrt(D)
    W1_w = jax.random.uniform(ks[5], (D, D), minval=-stdv, maxval=stdv, dtype=jnp.float32)
    W1_b = jax.random.uniform(ks[6], (D,), minval=-stdv, maxval=stdv, dtype=jnp.float32)
    W2_w = jax.random.uniform(ks[7], (D, D), minval=-stdv, maxval=stdv, dtype=jnp.float32)
    W2_b = jax.random.uniform(ks[8], (D,), minval=-stdv, maxval=stdv, dtype=jnp.float32)
    conv_w = jax.random.uniform(ks[9], (2,), minval=-stdv, maxval=stdv, dtype=jnp.float32)
    conv_b = jax.random.uniform(ks[10], (), minval=-stdv, maxval=stdv, dtype=jnp.float32)
    return {"x": x, "edge_index_in": edge_index_in, "edge_weight_in": edge_weight_in, "edge_index_out": edge_index_out, "edge_weight_out": edge_weight_out, "W1_w": W1_w, "W1_b": W1_b, "W2_w": W2_w, "W2_b": W2_b, "conv_w": conv_w, "conv_b": conv_b}

def _spmm(edge_index, edge_weight, x):
    # torch.sparse.mm(A, x): out[row] += A[row, col] * x[col]
    dst = edge_index[0]
    src = edge_index[1]
    msgs = jnp.take(x, src, axis=0) * edge_weight[:, None]
    return jax.ops.segment_sum(msgs, dst, num_segments=N)

def reference(x, edge_index_in, edge_weight_in, edge_index_out, edge_weight_out, W1_w, W1_b, W2_w, W2_b, conv_w, conv_b):
    # SeqGGNN.forward with gnn_layers=1, feat_drop=0 (identity at eval)
    layers = 1
    scale = jnp.sqrt(float(D))
    h = x
    for _ in range(layers):
        in_n = _spmm(edge_index_in, edge_weight_in, h)
        out_n = _spmm(edge_index_out, edge_weight_out, h)
        in_score = jnp.sum(jax.nn.relu((h * in_n) @ W1_w + W1_b) / scale, axis=1)
        out_score = jnp.sum(jax.nn.relu((h * out_n) @ W2_w + W2_b) / scale, axis=1)
        score = jax.nn.softmax(jnp.stack((in_score, out_score), axis=1), axis=1)
        neighbor = in_n * score[:, 0:1] + out_n * score[:, 1:2]
        # Conv2d(1,1,(1,2)) over stack((h, neighbor), dim=2) == w0*h + w1*neighbor + b
        h = conv_w[0] * h + conv_w[1] * neighbor + conv_b
    return h

if __name__ == "__main__":
    import jax
    _d = setup_inputs()
    print(jax.jit(kernel)(*tuple(_d.values())))

</pallas_src>

<mosaic_0001>
#map = affine_map<(d0, d1) -> (0, 0)>
#map1 = affine_map<(d0, d1) -> (0, 0, 0, 0, 0)>
#map2 = affine_map<(d0, d1) -> (0, 0, 0)>
module attributes {stable_mosaic.version = 14 : i64} {
  func.func @_sc_spmm_body(%arg0: i32, %arg1: i32, %arg2: memref<10000x128xf32, #tpu.memory_space<hbm>>, %arg3: memref<2x16x157x2x128xi32, #tpu.memory_space<hbm>>, %arg4: memref<2x16x20096xf32, #tpu.memory_space<hbm>>, %arg5: memref<2x10000x128xf32, #tpu.memory_space<hbm>>, %arg6: memref<128x128xf32, #tpu.memory_space<vmem>>, %arg7: memref<2x128xi32, #tpu.memory_space<vmem>>, %arg8: memref<20096xf32, #tpu.memory_space<vmem>>, %arg9: memref<10000x128xf32, #tpu.memory_space<vmem_shared>>, %arg10: memref<!tpu.dma_semaphore, #tpu.memory_space<semaphore_mem>>) attributes {dimension_semantics = [#tpu.dimension_semantics<core_parallel>, #tpu.dimension_semantics<subcore_parallel>], iteration_bounds = array<i64: 2, 16>, scalar_prefetch = 0 : i64, scratch_operands = 5 : i64, tpu.core_type = #tpu.core_type<sc_vector_subcore>, window_params = [{transform_indices = #map}, {transform_indices = #map1}, {transform_indices = #map2}, {transform_indices = #map2}]} {
    %scan3A = arith.constant 0 : i32
    %scan3A_0 = arith.constant 0 : i32
    %scan3A_1 = arith.constant 80 : i32
    %scan3A_2 = arith.addi %scan3A_0, %scan3A_1 : i32
    %scan3A_3 = arith.constant 1 : i32
    %scan3A_4 = scf.for %scan3A_30 = %scan3A_0 to %scan3A_2 step %scan3A_3 iter_args(%scan3A_31 = %scan3A) -> (i32)  : i32 {
      %broadcast_in_dim3A = arith.constant 0.000000e+00 : f32
      %broadcast_in_dim3A_32 = vector.broadcast %broadcast_in_dim3A : f32 to vector<16xf32>
      %swap3A = arith.index_cast %scan3A_30 : i32 to index
      %swap3A_33 = arith.constant 0 : index
      %swap3A_34 = tpu.vector_load %arg6[%swap3A, %swap3A_33] {strides = array<i32>} : memref<128x128xf32, #tpu.memory_space<vmem>>, vector<1x16xf32>,
      %swap3A_35 = vector.shape_cast %swap3A_34 : vector<1x16xf32> to vector<16xf32>
      %swap3A_36 = vector.shape_cast %broadcast_in_dim3A_32 : vector<16xf32> to vector<1x16xf32>
      tpu.vector_store %arg6[%swap3A, %swap3A_33], %swap3A_36 {strides = array<i32>} : memref<128x128xf32, #tpu.memory_space<vmem>>, vector<1x16xf32>,
      %broadcast_in_dim3A_37 = arith.constant 0.000000e+00 : f32
      %broadcast_in_dim3A_38 = vector.broadcast %broadcast_in_dim3A_37 : f32 to vector<16xf32>
      %swap3A_39 = arith.index_cast %scan3A_30 : i32 to index
      %swap3A_40 = arith.constant 16 : index
      %swap3A_41 = tpu.vector_load %arg6[%swap3A_39, %swap3A_40] {strides = array<i32>} : memref<128x128xf32, #tpu.memory_space<vmem>>, vector<1x16xf32>,
      %swap3A_42 = vector.shape_cast %swap3A_41 : vector<1x16xf32> to vector<16xf32>
      %swap3A_43 = vector.shape_cast %broadcast_in_dim3A_38 : vector<16xf32> to vector<1x16xf32>
      tpu.vector_store %arg6[%swap3A_39, %swap3A_40], %swap3A_43 {strides = array<i32>} : memref<128x128xf32, #tpu.memory_space<vmem>>, vector<1x16xf32>,
      %broadcast_in_dim3A_44 = arith.constant 0.000000e+00 : f32
      %broadcast_in_dim3A_45 = vector.broadcast %broadcast_in_dim3A_44 : f32 to vector<16xf32>
      %swap3A_46 = arith.index_cast %scan3A_30 : i32 to index
      %swap3A_47 = arith.constant 32 : index
      %swap3A_48 = tpu.vector_load %arg6[%swap3A_46, %swap3A_47] {strides = array<i32>} : memref<128x128xf32, #tpu.memory_space<vmem>>, vector<1x16xf32>,
      %swap3A_49 = vector.shape_cast %swap3A_48 : vector<1x16xf32> to vector<16xf32>
      %swap3A_50 = vector.shape_cast %broadcast_in_dim3A_45 : vector<16xf32> to vector<1x16xf32>
      tpu.vector_store %arg6[%swap3A_46, %swap3A_47], %swap3A_50 {strides = array<i32>} : memref<128x128xf32, #tpu.memory_space<vmem>>, vector<1x16xf32>,
      %broadcast_in_dim3A_51 = arith.constant 0.000000e+00 : f32
      %broadcast_in_dim3A_52 = vector.broadcast %broadcast_in_dim3A_51 : f32 to vector<16xf32>
      %swap3A_53 = arith.index_cast %scan3A_30 : i32 to index
      %swap3A_54 = arith.constant 48 : index
      %swap3A_55 = tpu.vector_load %arg6[%swap3A_53, %swap3A_54] {strides = array<i32>} : memref<128x128xf32, #tpu.memory_space<vmem>>, vector<1x16xf32>,
      %swap3A_56 = vector.shape_cast %swap3A_55 : vector<1x16xf32> to vector<16xf32>
      %swap3A_57 = vector.shape_cast %broadcast_in_dim3A_52 : vector<16xf32> to vector<1x16xf32>
      tpu.vector_store %arg6[%swap3A_53, %swap3A_54], %swap3A_57 {strides = array<i32>} : memref<128x128xf32, #tpu.memory_space<vmem>>, vector<1x16xf32>,
      %broadcast_in_dim3A_58 = arith.constant 0.000000e+00 : f32
      %broadcast_in_dim3A_59 = vector.broadcast %broadcast_in_dim3A_58 : f32 to vector<16xf32>
      %swap3A_60 = arith.index_cast %scan3A_30 : i32 to index
      %swap3A_61 = arith.constant 64 : index
      %swap3A_62 = tpu.vector_load %arg6[%swap3A_60, %swap3A_61] {strides = array<i32>} : memref<128x128xf32, #tpu.memory_space<vmem>>, vector<1x16xf32>,
      %swap3A_63 = vector.shape_cast %swap3A_62 : vector<1x16xf32> to vector<16xf32>
      %swap3A_64 = vector.shape_cast %broadcast_in_dim3A_59 : vector<16xf32> to vector<1x16xf32>
      tpu.vector_store %arg6[%swap3A_60, %swap3A_61], %swap3A_64 {strides = array<i32>} : memref<128x128xf32, #tpu.memory_space<vmem>>, vector<1x16xf32>,
      %broadcast_in_dim3A_65 = arith.constant 0.000000e+00 : f32
      %broadcast_in_dim3A_66 = vector.broadcast %broadcast_in_dim3A_65 : f32 to vector<16xf32>
      %swap3A_67 = arith.index_cast %scan3A_30 : i32 to index
      %swap3A_68 = arith.constant 80 : index
      %swap3A_69 = tpu.vector_load %arg6[%swap3A_67, %swap3A_68] {strides = array<i32>} : memref<128x128xf32, #tpu.memory_space<vmem>>, vector<1x16xf32>,
      %swap3A_70 = vector.shape_cast %swap3A_69 : vector<1x16xf32> to vector<16xf32>
      %swap3A_71 = vector.shape_cast %broadcast_in_dim3A_66 : vector<16xf32> to vector<1x16xf32>
      tpu.vector_store %arg6[%swap3A_67, %swap3A_68], %swap3A_71 {strides = array<i32>} : memref<128x128xf32, #tpu.memory_space<vmem>>, vector<1x16xf32>,
      %broadcast_in_dim3A_72 = arith.constant 0.000000e+00 : f32
      %broadcast_in_dim3A_73 = vector.broadcast %broadcast_in_dim3A_72 : f32 to vector<16xf32>
      %swap3A_74 = arith.index_cast %scan3A_30 : i32 to index
      %swap3A_75 = arith.constant 96 : index
      %swap3A_76 = tpu.vector_load %arg6[%swap3A_74, %swap3A_75] {strides = array<i32>} : memref<128x128xf32, #tpu.memory_space<vmem>>, vector<1x16xf32>,
      %swap3A_77 = vector.shape_cast %swap3A_76 : vector<1x16xf32> to vector<16xf32>
      %swap3A_78 = vector.shape_cast %broadcast_in_dim3A_73 : vector<16xf32> to vector<1x16xf32>
      tpu.vector_store %arg6[%swap3A_74, %swap3A_75], %swap3A_78 {strides = array<i32>} : memref<128x128xf32, #tpu.memory_space<vmem>>, vector<1x16xf32>,
      %broadcast_in_dim3A_79 = arith.constant 0.000000e+00 : f32
      %broadcast_in_dim3A_80 = vector.broadcast %broadcast_in_dim3A_79 : f32 to vector<16xf32>
      %swap3A_81 = arith.index_cast %scan3A_30 : i32 to index
      %swap3A_82 = arith.constant 112 : index
      %swap3A_83 = tpu.vector_load %arg6[%swap3A_81, %swap3A_82] {strides = array<i32>} : memref<128x128xf32, #tpu.memory_space<vmem>>, vector<1x16xf32>,
      %swap3A_84 = vector.shape_cast %swap3A_83 : vector<1x16xf32> to vector<16xf32>
      %swap3A_85 = vector.shape_cast %broadcast_in_dim3A_80 : vector<16xf32> to vector<1x16xf32>
      tpu.vector_store %arg6[%swap3A_81, %swap3A_82], %swap3A_85 {strides = array<i32>} : memref<128x128xf32, #tpu.memory_space<vmem>>, vector<1x16xf32>,
      %scan3A_86 = arith.constant 0 : i32
      scf.yield %scan3A_86 : i32
    }
    %scan3A_5 = arith.constant 80 : i32
    %lt3A = arith.constant 15 : i32
    %lt3A_6 = arith.cmpi slt, %arg1, %lt3A : i32
    %convert_element_type3A = arith.extui %lt3A_6 : i1 to i32
    %cond3A = arith.constant 0 : i32
    %cond3A_7 = arith.cmpi ne, %convert_element_type3A, %cond3A : i32
    scf.if %cond3A_7 {
      %mul3A = arith.constant 640 : i32
      %mul3A_30 = arith.muli %arg1, %mul3A : i32
      %add3A = arith.constant 0 : i32
      %add3A_31 = arith.addi %mul3A_30, %add3A : i32
      "tpu.region"() ({
        %run_scoped3A = tpu.sem_alloc : memref<!tpu.dma_semaphore, #tpu.memory_space<semaphore_mem>>
        %dma_start3A = arith.constant 0 : i32
        %dma_start3A_60 = arith.constant 0 : i32
        %dma_start3A_61 = tpu.memref_slice %arg6[%dma_start3A, %dma_start3A_60] : memref<128x128xf32, #tpu.memory_space<vmem>> -> memref<80x128xf32, #tpu.memory_space<vmem>>
        %dma_start3A_62 = arith.constant 0 : i32
        %dma_start3A_63 = tpu.memref_slice %arg9[%add3A_31, %dma_start3A_62] : memref<10000x128xf32, #tpu.memory_space<vmem_shared>> -> memref<80x128xf32, #tpu.memory_space<vmem_shared>>
        %dma_start3A_64 = arith.constant 0 : i32
        %dma_start3A_65 = tpu.memref_slice %arg9[%add3A_31, %dma_start3A_64] : memref<10000x128xf32, #tpu.memory_space<vmem_shared>> -> memref<80x128xf32, #tpu.memory_space<vmem_shared>>
        %dma_start3A_66 = arith.constant 0 : i32
        %dma_start3A_67 = arith.constant 0 : i32
        %dma_start3A_68 = tpu.memref_slice %arg6[%dma_start3A_66, %dma_start3A_67] : memref<128x128xf32, #tpu.memory_space<vmem>> -> memref<80x128xf32, #tpu.memory_space<vmem>>
        tpu.enqueue_dma source(%dma_start3A_68 : memref<80x128xf32, #tpu.memory_space<vmem>>) target(%dma_start3A_65 : memref<80x128xf32, #tpu.memory_space<vmem_shared>>) target_semaphore(%run_scoped3A : memref<!tpu.dma_semaphore, #tpu.memory_space<semaphore_mem>>)
        %dma_wait3A = arith.constant 0 : i32
        %dma_wait3A_69 = arith.constant 0 : i32
        %dma_wait3A_70 = tpu.memref_slice %arg6[%dma_wait3A, %dma_wait3A_69] : memref<128x128xf32, #tpu.memory_space<vmem>> -> memref<80x128xf32, #tpu.memory_space<vmem>>
        %dma_wait3A_71 = arith.constant 0 : i32
        %dma_wait3A_72 = tpu.memref_slice %arg9[%add3A_31, %dma_wait3A_71] : memref<10000x128xf32, #tpu.memory_space<vmem_shared>> -> memref<80x128xf32, #tpu.memory_space<vmem_shared>>
        %dma_wait3A_73 = arith.constant 0 : i32
        %dma_wait3A_74 = tpu.memref_slice %arg9[%add3A_31, %dma_wait3A_73] : memref<10000x128xf32, #tpu.memory_space<vmem_shared>> -> memref<80x128xf32, #tpu.memory_space<vmem_shared>>
        %dma_wait3A_75 = arith.constant 0 : i32
        %dma_wait3A_76 = arith.constant 0 : i32
        %dma_wait3A_77 = tpu.memref_slice %arg6[%dma_wait3A_75, %dma_wait3A_76] : memref<128x128xf32, #tpu.memory_space<vmem>> -> memref<80x128xf32, #tpu.memory_space<vmem>>
        tpu.wait_dma2 semaphore(%run_scoped3A : memref<!tpu.dma_semaphore, #tpu.memory_space<semaphore_mem>>) src(%dma_wait3A_77 : memref<80x128xf32, #tpu.memory_space<vmem>>) dst(%dma_wait3A_74 : memref<80x128xf32, #tpu.memory_space<vmem_shared>>)
        tpu.yield
      }) : () -> ()
      %mul3A_32 = arith.constant 640 : i32
      %mul3A_33 = arith.muli %arg1, %mul3A_32 : i32
      %add3A_34 = arith.constant 80 : i32
      %add3A_35 = arith.addi %mul3A_33, %add3A_34 : i32
      "tpu.region"() ({
        %run_scoped3A = tpu.sem_alloc : memref<!tpu.dma_semaphore, #tpu.memory_space<semaphore_mem>>
        %dma_start3A = arith.constant 0 : i32
        %dma_start3A_60 = arith.constant 0 : i32
        %dma_start3A_61 = tpu.memref_slice %arg6[%dma_start3A, %dma_start3A_60] : memref<128x128xf32, #tpu.memory_space<vmem>> -> memref<80x128xf32, #tpu.memory_space<vmem>>
        %dma_start3A_62 = arith.constant 0 : i32
        %dma_start3A_63 = tpu.memref_slice %arg9[%add3A_35, %dma_start3A_62] : memref<10000x128xf32, #tpu.memory_space<vmem_shared>> -> memref<80x128xf32, #tpu.memory_space<vmem_shared>>
        %dma_start3A_64 = arith.constant 0 : i32
        %dma_start3A_65 = tpu.memref_slice %arg9[%add3A_35, %dma_start3A_64] : memref<10000x128xf32, #tpu.memory_space<vmem_shared>> -> memref<80x128xf32, #tpu.memory_space<vmem_shared>>
        %dma_start3A_66 = arith.constant 0 : i32
        %dma_start3A_67 = arith.constant 0 : i32
        %dma_start3A_68 = tpu.memref_slice %arg6[%dma_start3A_66, %dma_start3A_67] : memref<128x128xf32, #tpu.memory_space<vmem>> -> memref<80x128xf32, #tpu.memory_space<vmem>>
        tpu.enqueue_dma source(%dma_start3A_68 : memref<80x128xf32, #tpu.memory_space<vmem>>) target(%dma_start3A_65 : memref<80x128xf32, #tpu.memory_space<vmem_shared>>) target_semaphore(%run_scoped3A : memref<!tpu.dma_semaphore, #tpu.memory_space<semaphore_mem>>)
        %dma_wait3A = arith.constant 0 : i32
        %dma_wait3A_69 = arith.constant 0 : i32
        %dma_wait3A_70 = tpu.memref_slice %arg6[%dma_wait3A, %dma_wait3A_69] : memref<128x128xf32, #tpu.memory_space<vmem>> -> memref<80x128xf32, #tpu.memory_space<vmem>>
        %dma_wait3A_71 = arith.constant 0 : i32
        %dma_wait3A_72 = tpu.memref_slice %arg9[%add3A_35, %dma_wait3A_71] : memref<10000x128xf32, #tpu.memory_space<vmem_shared>> -> memref<80x128xf32, #tpu.memory_space<vmem_shared>>
        %dma_wait3A_73 = arith.constant 0 : i32
        %dma_wait3A_74 = tpu.memref_slice %arg9[%add3A_35, %dma_wait3A_73] : memref<10000x128xf32, #tpu.memory_space<vmem_shared>> -> memref<80x128xf32, #tpu.memory_space<vmem_shared>>
        %dma_wait3A_75 = arith.constant 0 : i32
        %dma_wait3A_76 = arith.constant 0 : i32
        %dma_wait3A_77 = tpu.memref_slice %arg6[%dma_wait3A_75, %dma_wait3A_76] : memref<128x128xf32, #tpu.memory_space<vmem>> -> memref<80x128xf32, #tpu.memory_space<vmem>>
        tpu.wait_dma2 semaphore(%run_scoped3A : memref<!tpu.dma_semaphore, #tpu.memory_space<semaphore_mem>>) src(%dma_wait3A_77 : memref<80x128xf32, #tpu.memory_space<vmem>>) dst(%dma_wait3A_74 : memref<80x128xf32, #tpu.memory_space<vmem_shared>>)
        tpu.yield
      }) : () -> ()
      %mul3A_36 = arith.constant 640 : i32
      %mul3A_37 = arith.muli %arg1, %mul3A_36 : i32
      %add3A_38 = arith.constant 160 : i32
      %add3A_39 = arith.addi %mul3A_37, %add3A_38 : i32
      "tpu.region"() ({
        %run_scoped3A = tpu.sem_alloc : memref<!tpu.dma_semaphore, #tpu.memory_space<semaphore_mem>>
        %dma_start3A = arith.constant 0 : i32
        %dma_start3A_60 = arith.constant 0 : i32
        %dma_start3A_61 = tpu.memref_slice %arg6[%dma_start3A, %dma_start3A_60] : memref<128x128xf32, #tpu.memory_space<vmem>> -> memref<80x128xf32, #tpu.memory_space<vmem>>
        %dma_start3A_62 = arith.constant 0 : i32
        %dma_start3A_63 = tpu.memref_slice %arg9[%add3A_39, %dma_start3A_62] : memref<10000x128xf32, #tpu.memory_space<vmem_shared>> -> memref<80x128xf32, #tpu.memory_space<vmem_shared>>
        %dma_start3A_64 = arith.constant 0 : i32
        %dma_start3A_65 = tpu.memref_slice %arg9[%add3A_39, %dma_start3A_64] : memref<10000x128xf32, #tpu.memory_space<vmem_shared>> -> memref<80x128xf32, #tpu.memory_space<vmem_shared>>
        %dma_start3A_66 = arith.constant 0 : i32
        %dma_start3A_67 = arith.constant 0 : i32
        %dma_start3A_68 = tpu.memref_slice %arg6[%dma_start3A_66, %dma_start3A_67] : memref<128x128xf32, #tpu.memory_space<vmem>> -> memref<80x128xf32, #tpu.memory_space<vmem>>
        tpu.enqueue_dma source(%dma_start3A_68 : memref<80x128xf32, #tpu.memory_space<vmem>>) target(%dma_start3A_65 : memref<80x128xf32, #tpu.memory_space<vmem_shared>>) target_semaphore(%run_scoped3A : memref<!tpu.dma_semaphore, #tpu.memory_space<semaphore_mem>>)
        %dma_wait3A = arith.constant 0 : i32
        %dma_wait3A_69 = arith.constant 0 : i32
        %dma_wait3A_70 = tpu.memref_slice %arg6[%dma_wait3A, %dma_wait3A_69] : memref<128x128xf32, #tpu.memory_space<vmem>> -> memref<80x128xf32, #tpu.memory_space<vmem>>
        %dma_wait3A_71 = arith.constant 0 : i32
        %dma_wait3A_72 = tpu.memref_slice %arg9[%add3A_39, %dma_wait3A_71] : memref<10000x128xf32, #tpu.memory_space<vmem_shared>> -> memref<80x128xf32, #tpu.memory_space<vmem_shared>>
        %dma_wait3A_73 = arith.constant 0 : i32
        %dma_wait3A_74 = tpu.memref_slice %arg9[%add3A_39, %dma_wait3A_73] : memref<10000x128xf32, #tpu.memory_space<vmem_shared>> -> memref<80x128xf32, #tpu.memory_space<vmem_shared>>
        %dma_wait3A_75 = arith.constant 0 : i32
        %dma_wait3A_76 = arith.constant 0 : i32
        %dma_wait3A_77 = tpu.memref_slice %arg6[%dma_wait3A_75, %dma_wait3A_76] : memref<128x128xf32, #tpu.memory_space<vmem>> -> memref<80x128xf32, #tpu.memory_space<vmem>>
        tpu.wait_dma2 semaphore(%run_scoped3A : memref<!tpu.dma_semaphore, #tpu.memory_space<semaphore_mem>>) src(%dma_wait3A_77 : memref<80x128xf32, #tpu.memory_space<vmem>>) dst(%dma_wait3A_74 : memref<80x128xf32, #tpu.memory_space<vmem_shared>>)
        tpu.yield
      }) : () -> ()
      %mul3A_40 = arith.constant 640 : i32
      %mul3A_41 = arith.muli %arg1, %mul3A_40 : i32
      %add3A_42 = arith.constant 240 : i32
      %add3A_43 = arith.addi %mul3A_41, %add3A_42 : i32
      "tpu.region"() ({
        %run_scoped3A = tpu.sem_alloc : memref<!tpu.dma_semaphore, #tpu.memory_space<semaphore_mem>>
        %dma_start3A = arith.constant 0 : i32
        %dma_start3A_60 = arith.constant 0 : i32
        %dma_start3A_61 = tpu.memref_slice %arg6[%dma_start3A, %dma_start3A_60] : memref<128x128xf32, #tpu.memory_space<vmem>> -> memref<80x128xf32, #tpu.memory_space<vmem>>
        %dma_start3A_62 = arith.constant 0 : i32
        %dma_start3A_63 = tpu.memref_slice %arg9[%add3A_43, %dma_start3A_62] : memref<10000x128xf32, #tpu.memory_space<vmem_shared>> -> memref<80x128xf32, #tpu.memory_space<vmem_shared>>
        %dma_start3A_64 = arith.constant 0 : i32
        %dma_start3A_65 = tpu.memref_slice %arg9[%add3A_43, %dma_start3A_64] : memref<10000x128xf32, #tpu.memory_space<vmem_shared>> -> memref<80x128xf32, #tpu.memory_space<vmem_shared>>
        %dma_start3A_66 = arith.constant 0 : i32
        %dma_start3A_67 = arith.constant 0 : i32
        %dma_start3A_68 = tpu.memref_slice %arg6[%dma_start3A_66, %dma_start3A_67] : memref<128x128xf32, #tpu.memory_space<vmem>> -> memref<80x128xf32, #tpu.memory_space<vmem>>
        tpu.enqueue_dma source(%dma_start3A_68 : memref<80x128xf32, #tpu.memory_space<vmem>>) target(%dma_start3A_65 : memref<80x128xf32, #tpu.memory_space<vmem_shared>>) target_semaphore(%run_scoped3A : memref<!tpu.dma_semaphore, #tpu.memory_space<semaphore_mem>>)
        %dma_wait3A = arith.constant 0 : i32
        %dma_wait3A_69 = arith.constant 0 : i32
        %dma_wait3A_70 = tpu.memref_slice %arg6[%dma_wait3A, %dma_wait3A_69] : memref<128x128xf32, #tpu.memory_space<vmem>> -> memref<80x128xf32, #tpu.memory_space<vmem>>
        %dma_wait3A_71 = arith.constant 0 : i32
        %dma_wait3A_72 = tpu.memref_slice %arg9[%add3A_43, %dma_wait3A_71] : memref<10000x128xf32, #tpu.memory_space<vmem_shared>> -> memref<80x128xf32, #tpu.memory_space<vmem_shared>>
        %dma_wait3A_73 = arith.constant 0 : i32
        %dma_wait3A_74 = tpu.memref_slice %arg9[%add3A_43, %dma_wait3A_73] : memref<10000x128xf32, #tpu.memory_space<vmem_shared>> -> memref<80x128xf32, #tpu.memory_space<vmem_shared>>
        %dma_wait3A_75 = arith.constant 0 : i32
        %dma_wait3A_76 = arith.constant 0 : i32
        %dma_wait3A_77 = tpu.memref_slice %arg6[%dma_wait3A_75, %dma_wait3A_76] : memref<128x128xf32, #tpu.memory_space<vmem>> -> memref<80x128xf32, #tpu.memory_space<vmem>>
        tpu.wait_dma2 semaphore(%run_scoped3A : memref<!tpu.dma_semaphore, #tpu.memory_space<semaphore_mem>>) src(%dma_wait3A_77 : memref<80x128xf32, #tpu.memory_space<vmem>>) dst(%dma_wait3A_74 : memref<80x128xf32, #tpu.memory_space<vmem_shared>>)
        tpu.yield
      }) : () -> ()
      %mul3A_44 = arith.constant 640 : i32
      %mul3A_45 = arith.muli %arg1, %mul3A_44 : i32
      %add3A_46 = arith.constant 320 : i32
      %add3A_47 = arith.addi %mul3A_45, %add3A_46 : i32
      "tpu.region"() ({
        %run_scoped3A = tpu.sem_alloc : memref<!tpu.dma_semaphore, #tpu.memory_space<semaphore_mem>>
        %dma_start3A = arith.constant 0 : i32
        %dma_start3A_60 = arith.constant 0 : i32
        %dma_start3A_61 = tpu.memref_slice %arg6[%dma_start3A, %dma_start3A_60] : memref<128x128xf32, #tpu.memory_space<vmem>> -> memref<80x128xf32, #tpu.memory_space<vmem>>
        %dma_start3A_62 = arith.constant 0 : i32
        %dma_start3A_63 = tpu.memref_slice %arg9[%add3A_47, %dma_start3A_62] : memref<10000x128xf32, #tpu.memory_space<vmem_shared>> -> memref<80x128xf32, #tpu.memory_space<vmem_shared>>
        %dma_start3A_64 = arith.constant 0 : i32
        %dma_start3A_65 = tpu.memref_slice %arg9[%add3A_47, %dma_start3A_64] : memref<10000x128xf32, #tpu.memory_space<vmem_shared>> -> memref<80x128xf32, #tpu.memory_space<vmem_shared>>
        %dma_start3A_66 = arith.constant 0 : i32
        %dma_start3A_67 = arith.constant 0 : i32
        %dma_start3A_68 = tpu.memref_slice %arg6[%dma_start3A_66, %dma_start3A_67] : memref<128x128xf32, #tpu.memory_space<vmem>> -> memref<80x128xf32, #tpu.memory_space<vmem>>
        tpu.enqueue_dma source(%dma_start3A_68 : memref<80x128xf32, #tpu.memory_space<vmem>>) target(%dma_start3A_65 : memref<80x128xf32, #tpu.memory_space<vmem_shared>>) target_semaphore(%run_scoped3A : memref<!tpu.dma_semaphore, #tpu.memory_space<semaphore_mem>>)
        %dma_wait3A = arith.constant 0 : i32
        %dma_wait3A_69 = arith.constant 0 : i32
        %dma_wait3A_70 = tpu.memref_slice %arg6[%dma_wait3A, %dma_wait3A_69] : memref<128x128xf32, #tpu.memory_space<vmem>> -> memref<80x128xf32, #tpu.memory_space<vmem>>
        %dma_wait3A_71 = arith.constant 0 : i32
        %dma_wait3A_72 = tpu.memref_slice %arg9[%add3A_47, %dma_wait3A_71] : memref<10000x128xf32, #tpu.memory_space<vmem_shared>> -> memref<80x128xf32, #tpu.memory_space<vmem_shared>>
        %dma_wait3A_73 = arith.constant 0 : i32
        %dma_wait3A_74 = tpu.memref_slice %arg9[%add3A_47, %dma_wait3A_73] : memref<10000x128xf32, #tpu.memory_space<vmem_shared>> -> memref<80x128xf32, #tpu.memory_space<vmem_shared>>
        %dma_wait3A_75 = arith.constant 0 : i32
        %dma_wait3A_76 = arith.constant 0 : i32
        %dma_wait3A_77 = tpu.memref_slice %arg6[%dma_wait3A_75, %dma_wait3A_76] : memref<128x128xf32, #tpu.memory_space<vmem>> -> memref<80x128xf32, #tpu.memory_space<vmem>>
        tpu.wait_dma2 semaphore(%run_scoped3A : memref<!tpu.dma_semaphore, #tpu.memory_space<semaphore_mem>>) src(%dma_wait3A_77 : memref<80x128xf32, #tpu.memory_space<vmem>>) dst(%dma_wait3A_74 : memref<80x128xf32, #tpu.memory_space<vmem_shared>>)
        tpu.yield
      }) : () -> ()
      %mul3A_48 = arith.constant 640 : i32
      %mul3A_49 = arith.muli %arg1, %mul3A_48 : i32
      %add3A_50 = arith.constant 400 : i32
      %add3A_51 = arith.addi %mul3A_49, %add3A_50 : i32
      "tpu.region"() ({
        %run_scoped3A = tpu.sem_alloc : memref<!tpu.dma_semaphore, #tpu.memory_space<semaphore_mem>>
        %dma_start3A = arith.constant 0 : i32
        %dma_start3A_60 = arith.constant 0 : i32
        %dma_start3A_61 = tpu.memref_slice %arg6[%dma_start3A, %dma_start3A_60] : memref<128x128xf32, #tpu.memory_space<vmem>> -> memref<80x128xf32, #tpu.memory_space<vmem>>
        %dma_start3A_62 = arith.constant 0 : i32
        %dma_start3A_63 = tpu.memref_slice %arg9[%add3A_51, %dma_start3A_62] : memref<10000x128xf32, #tpu.memory_space<vmem_shared>> -> memref<80x128xf32, #tpu.memory_space<vmem_shared>>
        %dma_start3A_64 = arith.constant 0 : i32
        %dma_start3A_65 = tpu.memref_slice %arg9[%add3A_51, %dma_start3A_64] : memref<10000x128xf32, #tpu.memory_space<vmem_shared>> -> memref<80x128xf32, #tpu.memory_space<vmem_shared>>
        %dma_start3A_66 = arith.constant 0 : i32
        %dma_start3A_67 = arith.constant 0 : i32
        %dma_start3A_68 = tpu.memref_slice %arg6[%dma_start3A_66, %dma_start3A_67] : memref<128x128xf32, #tpu.memory_space<vmem>> -> memref<80x128xf32, #tpu.memory_space<vmem>>
        tpu.enqueue_dma source(%dma_start3A_68 : memref<80x128xf32, #tpu.memory_space<vmem>>) target(%dma_start3A_65 : memref<80x128xf32, #tpu.memory_space<vmem_shared>>) target_semaphore(%run_scoped3A : memref<!tpu.dma_semaphore, #tpu.memory_space<semaphore_mem>>)
        %dma_wait3A = arith.constant 0 : i32
        %dma_wait3A_69 = arith.constant 0 : i32
        %dma_wait3A_70 = tpu.memref_slice %arg6[%dma_wait3A, %dma_wait3A_69] : memref<128x128xf32, #tpu.memory_space<vmem>> -> memref<80x128xf32, #tpu.memory_space<vmem>>
        %dma_wait3A_71 = arith.constant 0 : i32
        %dma_wait3A_72 = tpu.memref_slice %arg9[%add3A_51, %dma_wait3A_71] : memref<10000x128xf32, #tpu.memory_space<vmem_shared>> -> memref<80x128xf32, #tpu.memory_space<vmem_shared>>
        %dma_wait3A_73 = arith.constant 0 : i32
        %dma_wait3A_74 = tpu.memref_slice %arg9[%add3A_51, %dma_wait3A_73] : memref<10000x128xf32, #tpu.memory_space<vmem_shared>> -> memref<80x128xf32, #tpu.memory_space<vmem_shared>>
        %dma_wait3A_75 = arith.constant 0 : i32
        %dma_wait3A_76 = arith.constant 0 : i32
        %dma_wait3A_77 = tpu.memref_slice %arg6[%dma_wait3A_75, %dma_wait3A_76] : memref<128x128xf32, #tpu.memory_space<vmem>> -> memref<80x128xf32, #tpu.memory_space<vmem>>
        tpu.wait_dma2 semaphore(%run_scoped3A : memref<!tpu.dma_semaphore, #tpu.memory_space<semaphore_mem>>) src(%dma_wait3A_77 : memref<80x128xf32, #tpu.memory_space<vmem>>) dst(%dma_wait3A_74 : memref<80x128xf32, #tpu.memory_space<vmem_shared>>)
        tpu.yield
      }) : () -> ()
      %mul3A_52 = arith.constant 640 : i32
      %mul3A_53 = arith.muli %arg1, %mul3A_52 : i32
      %add3A_54 = arith.constant 480 : i32
      %add3A_55 = arith.addi %mul3A_53, %add3A_54 : i32
      "tpu.region"() ({
        %run_scoped3A = tpu.sem_alloc : memref<!tpu.dma_semaphore, #tpu.memory_space<semaphore_mem>>
        %dma_start3A = arith.constant 0 : i32
        %dma_start3A_60 = arith.constant 0 : i32
        %dma_start3A_61 = tpu.memref_slice %arg6[%dma_start3A, %dma_start3A_60] : memref<128x128xf32, #tpu.memory_space<vmem>> -> memref<80x128xf32, #tpu.memory_space<vmem>>
        %dma_start3A_62 = arith.constant 0 : i32
        %dma_start3A_63 = tpu.memref_slice %arg9[%add3A_55, %dma_start3A_62] : memref<10000x128xf32, #tpu.memory_space<vmem_shared>> -> memref<80x128xf32, #tpu.memory_space<vmem_shared>>
        %dma_start3A_64 = arith.constant 0 : i32
        %dma_start3A_65 = tpu.memref_slice %arg9[%add3A_55, %dma_start3A_64] : memref<10000x128xf32, #tpu.memory_space<vmem_shared>> -> memref<80x128xf32, #tpu.memory_space<vmem_shared>>
        %dma_start3A_66 = arith.constant 0 : i32
        %dma_start3A_67 = arith.constant 0 : i32
        %dma_start3A_68 = tpu.memref_slice %arg6[%dma_start3A_66, %dma_start3A_67] : memref<128x128xf32, #tpu.memory_space<vmem>> -> memref<80x128xf32, #tpu.memory_space<vmem>>
        tpu.enqueue_dma source(%dma_start3A_68 : memref<80x128xf32, #tpu.memory_space<vmem>>) target(%dma_start3A_65 : memref<80x128xf32, #tpu.memory_space<vmem_shared>>) target_semaphore(%run_scoped3A : memref<!tpu.dma_semaphore, #tpu.memory_space<semaphore_mem>>)
        %dma_wait3A = arith.constant 0 : i32
        %dma_wait3A_69 = arith.constant 0 : i32
        %dma_wait3A_70 = tpu.memref_slice %arg6[%dma_wait3A, %dma_wait3A_69] : memref<128x128xf32, #tpu.memory_space<vmem>> -> memref<80x128xf32, #tpu.memory_space<vmem>>
        %dma_wait3A_71 = arith.constant 0 : i32
        %dma_wait3A_72 = tpu.memref_slice %arg9[%add3A_55, %dma_wait3A_71] : memref<10000x128xf32, #tpu.memory_space<vmem_shared>> -> memref<80x128xf32, #tpu.memory_space<vmem_shared>>
        %dma_wait3A_73 = arith.constant 0 : i32
        %dma_wait3A_74 = tpu.memref_slice %arg9[%add3A_55, %dma_wait3A_73] : memref<10000x128xf32, #tpu.memory_space<vmem_shared>> -> memref<80x128xf32, #tpu.memory_space<vmem_shared>>
        %dma_wait3A_75 = arith.constant 0 : i32
        %dma_wait3A_76 = arith.constant 0 : i32
        %dma_wait3A_77 = tpu.memref_slice %arg6[%dma_wait3A_75, %dma_wait3A_76] : memref<128x128xf32, #tpu.memory_space<vmem>> -> memref<80x128xf32, #tpu.memory_space<vmem>>
        tpu.wait_dma2 semaphore(%run_scoped3A : memref<!tpu.dma_semaphore, #tpu.memory_space<semaphore_mem>>) src(%dma_wait3A_77 : memref<80x128xf32, #tpu.memory_space<vmem>>) dst(%dma_wait3A_74 : memref<80x128xf32, #tpu.memory_space<vmem_shared>>)
        tpu.yield
      }) : () -> ()
      %mul3A_56 = arith.constant 640 : i32
      %mul3A_57 = arith.muli %arg1, %mul3A_56 : i32
      %add3A_58 = arith.constant 560 : i32
      %add3A_59 = arith.addi %mul3A_57, %add3A_58 : i32
      "tpu.region"() ({
        %run_scoped3A = tpu.sem_alloc : memref<!tpu.dma_semaphore, #tpu.memory_space<semaphore_mem>>
        %dma_start3A = arith.constant 0 : i32
        %dma_start3A_60 = arith.constant 0 : i32
        %dma_start3A_61 = tpu.memref_slice %arg6[%dma_start3A, %dma_start3A_60] : memref<128x128xf32, #tpu.memory_space<vmem>> -> memref<80x128xf32, #tpu.memory_space<vmem>>
        %dma_start3A_62 = arith.constant 0 : i32
        %dma_start3A_63 = tpu.memref_slice %arg9[%add3A_59, %dma_start3A_62] : memref<10000x128xf32, #tpu.memory_space<vmem_shared>> -> memref<80x128xf32, #tpu.memory_space<vmem_shared>>
        %dma_start3A_64 = arith.constant 0 : i32
        %dma_start3A_65 = tpu.memref_slice %arg9[%add3A_59, %dma_start3A_64] : memref<10000x128xf32, #tpu.memory_space<vmem_shared>> -> memref<80x128xf32, #tpu.memory_space<vmem_shared>>
        %dma_start3A_66 = arith.constant 0 : i32
        %dma_start3A_67 = arith.constant 0 : i32
        %dma_start3A_68 = tpu.memref_slice %arg6[%dma_start3A_66, %dma_start3A_67] : memref<128x128xf32, #tpu.memory_space<vmem>> -> memref<80x128xf32, #tpu.memory_space<vmem>>
        tpu.enqueue_dma source(%dma_start3A_68 : memref<80x128xf32, #tpu.memory_space<vmem>>) target(%dma_start3A_65 : memref<80x128xf32, #tpu.memory_space<vmem_shared>>) target_semaphore(%run_scoped3A : memref<!tpu.dma_semaphore, #tpu.memory_space<semaphore_mem>>)
        %dma_wait3A = arith.constant 0 : i32
        %dma_wait3A_69 = arith.constant 0 : i32
        %dma_wait3A_70 = tpu.memref_slice %arg6[%dma_wait3A, %dma_wait3A_69] : memref<128x128xf32, #tpu.memory_space<vmem>> -> memref<80x128xf32, #tpu.memory_space<vmem>>
        %dma_wait3A_71 = arith.constant 0 : i32
        %dma_wait3A_72 = tpu.memref_slice %arg9[%add3A_59, %dma_wait3A_71] : memref<10000x128xf32, #tpu.memory_space<vmem_shared>> -> memref<80x128xf32, #tpu.memory_space<vmem_shared>>
        %dma_wait3A_73 = arith.constant 0 : i32
        %dma_wait3A_74 = tpu.memref_slice %arg9[%add3A_59, %dma_wait3A_73] : memref<10000x128xf32, #tpu.memory_space<vmem_shared>> -> memref<80x128xf32, #tpu.memory_space<vmem_shared>>
        %dma_wait3A_75 = arith.constant 0 : i32
        %dma_wait3A_76 = arith.constant 0 : i32
        %dma_wait3A_77 = tpu.memref_slice %arg6[%dma_wait3A_75, %dma_wait3A_76] : memref<128x128xf32, #tpu.memory_space<vmem>> -> memref<80x128xf32, #tpu.memory_space<vmem>>
        tpu.wait_dma2 semaphore(%run_scoped3A : memref<!tpu.dma_semaphore, #tpu.memory_space<semaphore_mem>>) src(%dma_wait3A_77 : memref<80x128xf32, #tpu.memory_space<vmem>>) dst(%dma_wait3A_74 : memref<80x128xf32, #tpu.memory_space<vmem_shared>>)
        tpu.yield
      }) : () -> ()
    } else {
    }
    %eq3A = arith.constant 15 : i32
    %eq3A_8 = arith.cmpi eq, %arg1, %eq3A : i32
    %convert_element_type3A_9 = arith.extui %eq3A_8 : i1 to i32
    %cond3A_10 = arith.constant 0 : i32
    %cond3A_11 = arith.cmpi ne, %convert_element_type3A_9, %cond3A_10 : i32
    scf.if %cond3A_11 {
      %mul3A = arith.constant 640 : i32
      %mul3A_30 = arith.muli %arg1, %mul3A : i32
      %add3A = arith.constant 0 : i32
      %add3A_31 = arith.addi %mul3A_30, %add3A : i32
      "tpu.region"() ({
        %run_scoped3A = tpu.sem_alloc : memref<!tpu.dma_semaphore, #tpu.memory_space<semaphore_mem>>
        %dma_start3A = arith.constant 0 : i32
        %dma_start3A_48 = arith.constant 0 : i32
        %dma_start3A_49 = tpu.memref_slice %arg6[%dma_start3A, %dma_start3A_48] : memref<128x128xf32, #tpu.memory_space<vmem>> -> memref<80x128xf32, #tpu.memory_space<vmem>>
        %dma_start3A_50 = arith.constant 0 : i32
        %dma_start3A_51 = tpu.memref_slice %arg9[%add3A_31, %dma_start3A_50] : memref<10000x128xf32, #tpu.memory_space<vmem_shared>> -> memref<80x128xf32, #tpu.memory_space<vmem_shared>>
        %dma_start3A_52 = arith.constant 0 : i32
        %dma_start3A_53 = tpu.memref_slice %arg9[%add3A_31, %dma_start3A_52] : memref<10000x128xf32, #tpu.memory_space<vmem_shared>> -> memref<80x128xf32, #tpu.memory_space<vmem_shared>>
        %dma_start3A_54 = arith.constant 0 : i32
        %dma_start3A_55 = arith.constant 0 : i32
        %dma_start3A_56 = tpu.memref_slice %arg6[%dma_start3A_54, %dma_start3A_55] : memref<128x128xf32, #tpu.memory_space<vmem>> -> memref<80x128xf32, #tpu.memory_space<vmem>>
        tpu.enqueue_dma source(%dma_start3A_56 : memref<80x128xf32, #tpu.memory_space<vmem>>) target(%dma_start3A_53 : memref<80x128xf32, #tpu.memory_space<vmem_shared>>) target_semaphore(%run_scoped3A : memref<!tpu.dma_semaphore, #tpu.memory_space<semaphore_mem>>)
        %dma_wait3A = arith.constant 0 : i32
        %dma_wait3A_57 = arith.constant 0 : i32
        %dma_wait3A_58 = tpu.memref_slice %arg6[%dma_wait3A, %dma_wait3A_57] : memref<128x128xf32, #tpu.memory_space<vmem>> -> memref<80x128xf32, #tpu.memory_space<vmem>>
        %dma_wait3A_59 = arith.constant 0 : i32
        %dma_wait3A_60 = tpu.memref_slice %arg9[%add3A_31, %dma_wait3A_59] : memref<10000x128xf32, #tpu.memory_space<vmem_shared>> -> memref<80x128xf32, #tpu.memory_space<vmem_shared>>
        %dma_wait3A_61 = arith.constant 0 : i32
        %dma_wait3A_62 = tpu.memref_slice %arg9[%add3A_31, %dma_wait3A_61] : memref<10000x128xf32, #tpu.memory_space<vmem_shared>> -> memref<80x128xf32, #tpu.memory_space<vmem_shared>>
        %dma_wait3A_63 = arith.constant 0 : i32
        %dma_wait3A_64 = arith.constant 0 : i32
        %dma_wait3A_65 = tpu.memref_slice %arg6[%dma_wait3A_63, %dma_wait3A_64] : memref<128x128xf32, #tpu.memory_space<vmem>> -> memref<80x128xf32, #tpu.memory_space<vmem>>
        tpu.wait_dma2 semaphore(%run_scoped3A : memref<!tpu.dma_semaphore, #tpu.memory_space<semaphore_mem>>) src(%dma_wait3A_65 : memref<80x128xf32, #tpu.memory_space<vmem>>) dst(%dma_wait3A_62 : memref<80x128xf32, #tpu.memory_space<vmem_shared>>)
        tpu.yield
      }) : () -> ()
      %mul3A_32 = arith.constant 640 : i32
      %mul3A_33 = arith.muli %arg1, %mul3A_32 : i32
      %add3A_34 = arith.constant 80 : i32
      %add3A_35 = arith.addi %mul3A_33, %add3A_34 : i32
      "tpu.region"() ({
        %run_scoped3A = tpu.sem_alloc : memref<!tpu.dma_semaphore, #tpu.memory_space<semaphore_mem>>
        %dma_start3A = arith.constant 0 : i32
        %dma_start3A_48 = arith.constant 0 : i32
        %dma_start3A_49 = tpu.memref_slice %arg6[%dma_start3A, %dma_start3A_48] : memref<128x128xf32, #tpu.memory_space<vmem>> -> memref<80x128xf32, #tpu.memory_space<vmem>>
        %dma_start3A_50 = arith.constant 0 : i32
        %dma_start3A_51 = tpu.memref_slice %arg9[%add3A_35, %dma_start3A_50] : memref<10000x128xf32, #tpu.memory_space<vmem_shared>> -> memref<80x128xf32, #tpu.memory_space<vmem_shared>>
        %dma_start3A_52 = arith.constant 0 : i32
        %dma_start3A_53 = tpu.memref_slice %arg9[%add3A_35, %dma_start3A_52] : memref<10000x128xf32, #tpu.memory_space<vmem_shared>> -> memref<80x128xf32, #tpu.memory_space<vmem_shared>>
        %dma_start3A_54 = arith.constant 0 : i32
        %dma_start3A_55 = arith.constant 0 : i32
        %dma_start3A_56 = tpu.memref_slice %arg6[%dma_start3A_54, %dma_start3A_55] : memref<128x128xf32, #tpu.memory_space<vmem>> -> memref<80x128xf32, #tpu.memory_space<vmem>>
        tpu.enqueue_dma source(%dma_start3A_56 : memref<80x128xf32, #tpu.memory_space<vmem>>) target(%dma_start3A_53 : memref<80x128xf32, #tpu.memory_space<vmem_shared>>) target_semaphore(%run_scoped3A : memref<!tpu.dma_semaphore, #tpu.memory_space<semaphore_mem>>)
        %dma_wait3A = arith.constant 0 : i32
        %dma_wait3A_57 = arith.constant 0 : i32
        %dma_wait3A_58 = tpu.memref_slice %arg6[%dma_wait3A, %dma_wait3A_57] : memref<128x128xf32, #tpu.memory_space<vmem>> -> memref<80x128xf32, #tpu.memory_space<vmem>>
        %dma_wait3A_59 = arith.constant 0 : i32
        %dma_wait3A_60 = tpu.memref_slice %arg9[%add3A_35, %dma_wait3A_59] : memref<10000x128xf32, #tpu.memory_space<vmem_shared>> -> memref<80x128xf32, #tpu.memory_space<vmem_shared>>
        %dma_wait3A_61 = arith.constant 0 : i32
        %dma_wait3A_62 = tpu.memref_slice %arg9[%add3A_35, %dma_wait3A_61] : memref<10000x128xf32, #tpu.memory_space<vmem_shared>> -> memref<80x128xf32, #tpu.memory_space<vmem_shared>>
        %dma_wait3A_63 = arith.constant 0 : i32
        %dma_wait3A_64 = arith.constant 0 : i32
        %dma_wait3A_65 = tpu.memref_slice %arg6[%dma_wait3A_63, %dma_wait3A_64] : memref<128x128xf32, #tpu.memory_space<vmem>> -> memref<80x128xf32, #tpu.memory_space<vmem>>
        tpu.wait_dma2 semaphore(%run_scoped3A : memref<!tpu.dma_semaphore, #tpu.memory_space<semaphore_mem>>) src(%dma_wait3A_65 : memref<80x128xf32, #tpu.memory_space<vmem>>) dst(%dma_wait3A_62 : memref<80x128xf32, #tpu.memory_space<vmem_shared>>)
        tpu.yield
      }) : () -> ()
      %mul3A_36 = arith.constant 640 : i32
      %mul3A_37 = arith.muli %arg1, %mul3A_36 : i32
      %add3A_38 = arith.constant 160 : i32
      %add3A_39 = arith.addi %mul3A_37, %add3A_38 : i32
      "tpu.region"() ({
        %run_scoped3A = tpu.sem_alloc : memref<!tpu.dma_semaphore, #tpu.memory_space<semaphore_mem>>
        %dma_start3A = arith.constant 0 : i32
        %dma_start3A_48 = arith.constant 0 : i32
        %dma_start3A_49 = tpu.memref_slice %arg6[%dma_start3A, %dma_start3A_48] : memref<128x128xf32, #tpu.memory_space<vmem>> -> memref<80x128xf32, #tpu.memory_space<vmem>>
        %dma_start3A_50 = arith.constant 0 : i32
        %dma_start3A_51 = tpu.memref_slice %arg9[%add3A_39, %dma_start3A_50] : memref<10000x128xf32, #tpu.memory_space<vmem_shared>> -> memref<80x128xf32, #tpu.memory_space<vmem_shared>>
        %dma_start3A_52 = arith.constant 0 : i32
        %dma_start3A_53 = tpu.memref_slice %arg9[%add3A_39, %dma_start3A_52] : memref<10000x128xf32, #tpu.memory_space<vmem_shared>> -> memref<80x128xf32, #tpu.memory_space<vmem_shared>>
        %dma_start3A_54 = arith.constant 0 : i32
        %dma_start3A_55 = arith.constant 0 : i32
        %dma_start3A_56 = tpu.memref_slice %arg6[%dma_start3A_54, %dma_start3A_55] : memref<128x128xf32, #tpu.memory_space<vmem>> -> memref<80x128xf32, #tpu.memory_space<vmem>>
        tpu.enqueue_dma source(%dma_start3A_56 : memref<80x128xf32, #tpu.memory_space<vmem>>) target(%dma_start3A_53 : memref<80x128xf32, #tpu.memory_space<vmem_shared>>) target_semaphore(%run_scoped3A : memref<!tpu.dma_semaphore, #tpu.memory_space<semaphore_mem>>)
        %dma_wait3A = arith.constant 0 : i32
        %dma_wait3A_57 = arith.constant 0 : i32
        %dma_wait3A_58 = tpu.memref_slice %arg6[%dma_wait3A, %dma_wait3A_57] : memref<128x128xf32, #tpu.memory_space<vmem>> -> memref<80x128xf32, #tpu.memory_space<vmem>>
        %dma_wait3A_59 = arith.constant 0 : i32
        %dma_wait3A_60 = tpu.memref_slice %arg9[%add3A_39, %dma_wait3A_59] : memref<10000x128xf32, #tpu.memory_space<vmem_shared>> -> memref<80x128xf32, #tpu.memory_space<vmem_shared>>
        %dma_wait3A_61 = arith.constant 0 : i32
        %dma_wait3A_62 = tpu.memref_slice %arg9[%add3A_39, %dma_wait3A_61] : memref<10000x128xf32, #tpu.memory_space<vmem_shared>> -> memref<80x128xf32, #tpu.memory_space<vmem_shared>>
        %dma_wait3A_63 = arith.constant 0 : i32
        %dma_wait3A_64 = arith.constant 0 : i32
        %dma_wait3A_65 = tpu.memref_slice %arg6[%dma_wait3A_63, %dma_wait3A_64] : memref<128x128xf32, #tpu.memory_space<vmem>> -> memref<80x128xf32, #tpu.memory_space<vmem>>
        tpu.wait_dma2 semaphore(%run_scoped3A : memref<!tpu.dma_semaphore, #tpu.memory_space<semaphore_mem>>) src(%dma_wait3A_65 : memref<80x128xf32, #tpu.memory_space<vmem>>) dst(%dma_wait3A_62 : memref<80x128xf32, #tpu.memory_space<vmem_shared>>)
        tpu.yield
      }) : () -> ()
      %mul3A_40 = arith.constant 640 : i32
      %mul3A_41 = arith.muli %arg1, %mul3A_40 : i32
      %add3A_42 = arith.constant 240 : i32
      %add3A_43 = arith.addi %mul3A_41, %add3A_42 : i32
      "tpu.region"() ({
        %run_scoped3A = tpu.sem_alloc : memref<!tpu.dma_semaphore, #tpu.memory_space<semaphore_mem>>
        %dma_start3A = arith.constant 0 : i32
        %dma_start3A_48 = arith.constant 0 : i32
        %dma_start3A_49 = tpu.memref_slice %arg6[%dma_start3A, %dma_start3A_48] : memref<128x128xf32, #tpu.memory_space<vmem>> -> memref<80x128xf32, #tpu.memory_space<vmem>>
        %dma_start3A_50 = arith.constant 0 : i32
        %dma_start3A_51 = tpu.memref_slice %arg9[%add3A_43, %dma_start3A_50] : memref<10000x128xf32, #tpu.memory_space<vmem_shared>> -> memref<80x128xf32, #tpu.memory_space<vmem_shared>>
        %dma_start3A_52 = arith.constant 0 : i32
        %dma_start3A_53 = tpu.memref_slice %arg9[%add3A_43, %dma_start3A_52] : memref<10000x128xf32, #tpu.memory_space<vmem_shared>> -> memref<80x128xf32, #tpu.memory_space<vmem_shared>>
        %dma_start3A_54 = arith.constant 0 : i32
        %dma_start3A_55 = arith.constant 0 : i32
        %dma_start3A_56 = tpu.memref_slice %arg6[%dma_start3A_54, %dma_start3A_55] : memref<128x128xf32, #tpu.memory_space<vmem>> -> memref<80x128xf32, #tpu.memory_space<vmem>>
        tpu.enqueue_dma source(%dma_start3A_56 : memref<80x128xf32, #tpu.memory_space<vmem>>) target(%dma_start3A_53 : memref<80x128xf32, #tpu.memory_space<vmem_shared>>) target_semaphore(%run_scoped3A : memref<!tpu.dma_semaphore, #tpu.memory_space<semaphore_mem>>)
        %dma_wait3A = arith.constant 0 : i32
        %dma_wait3A_57 = arith.constant 0 : i32
        %dma_wait3A_58 = tpu.memref_slice %arg6[%dma_wait3A, %dma_wait3A_57] : memref<128x128xf32, #tpu.memory_space<vmem>> -> memref<80x128xf32, #tpu.memory_space<vmem>>
        %dma_wait3A_59 = arith.constant 0 : i32
        %dma_wait3A_60 = tpu.memref_slice %arg9[%add3A_43, %dma_wait3A_59] : memref<10000x128xf32, #tpu.memory_space<vmem_shared>> -> memref<80x128xf32, #tpu.memory_space<vmem_shared>>
        %dma_wait3A_61 = arith.constant 0 : i32
        %dma_wait3A_62 = tpu.memref_slice %arg9[%add3A_43, %dma_wait3A_61] : memref<10000x128xf32, #tpu.memory_space<vmem_shared>> -> memref<80x128xf32, #tpu.memory_space<vmem_shared>>
        %dma_wait3A_63 = arith.constant 0 : i32
        %dma_wait3A_64 = arith.constant 0 : i32
        %dma_wait3A_65 = tpu.memref_slice %arg6[%dma_wait3A_63, %dma_wait3A_64] : memref<128x128xf32, #tpu.memory_space<vmem>> -> memref<80x128xf32, #tpu.memory_space<vmem>>
        tpu.wait_dma2 semaphore(%run_scoped3A : memref<!tpu.dma_semaphore, #tpu.memory_space<semaphore_mem>>) src(%dma_wait3A_65 : memref<80x128xf32, #tpu.memory_space<vmem>>) dst(%dma_wait3A_62 : memref<80x128xf32, #tpu.memory_space<vmem_shared>>)
        tpu.yield
      }) : () -> ()
      %mul3A_44 = arith.constant 640 : i32
      %mul3A_45 = arith.muli %arg1, %mul3A_44 : i32
      %add3A_46 = arith.constant 320 : i32
      %add3A_47 = arith.addi %mul3A_45, %add3A_46 : i32
      "tpu.region"() ({
        %run_scoped3A = tpu.sem_alloc : memref<!tpu.dma_semaphore, #tpu.memory_space<semaphore_mem>>
        %dma_start3A = arith.constant 0 : i32
        %dma_start3A_48 = arith.constant 0 : i32
        %dma_start3A_49 = tpu.memref_slice %arg6[%dma_start3A, %dma_start3A_48] : memref<128x128xf32, #tpu.memory_space<vmem>> -> memref<80x128xf32, #tpu.memory_space<vmem>>
        %dma_start3A_50 = arith.constant 0 : i32
        %dma_start3A_51 = tpu.memref_slice %arg9[%add3A_47, %dma_start3A_50] : memref<10000x128xf32, #tpu.memory_space<vmem_shared>> -> memref<80x128xf32, #tpu.memory_space<vmem_shared>>
        %dma_start3A_52 = arith.constant 0 : i32
        %dma_start3A_53 = tpu.memref_slice %arg9[%add3A_47, %dma_start3A_52] : memref<10000x128xf32, #tpu.memory_space<vmem_shared>> -> memref<80x128xf32, #tpu.memory_space<vmem_shared>>
        %dma_start3A_54 = arith.constant 0 : i32
        %dma_start3A_55 = arith.constant 0 : i32
        %dma_start3A_56 = tpu.memref_slice %arg6[%dma_start3A_54, %dma_start3A_55] : memref<128x128xf32, #tpu.memory_space<vmem>> -> memref<80x128xf32, #tpu.memory_space<vmem>>
        tpu.enqueue_dma source(%dma_start3A_56 : memref<80x128xf32, #tpu.memory_space<vmem>>) target(%dma_start3A_53 : memref<80x128xf32, #tpu.memory_space<vmem_shared>>) target_semaphore(%run_scoped3A : memref<!tpu.dma_semaphore, #tpu.memory_space<semaphore_mem>>)
        %dma_wait3A = arith.constant 0 : i32
        %dma_wait3A_57 = arith.constant 0 : i32
        %dma_wait3A_58 = tpu.memref_slice %arg6[%dma_wait3A, %dma_wait3A_57] : memref<128x128xf32, #tpu.memory_space<vmem>> -> memref<80x128xf32, #tpu.memory_space<vmem>>
        %dma_wait3A_59 = arith.constant 0 : i32
        %dma_wait3A_60 = tpu.memref_slice %arg9[%add3A_47, %dma_wait3A_59] : memref<10000x128xf32, #tpu.memory_space<vmem_shared>> -> memref<80x128xf32, #tpu.memory_space<vmem_shared>>
        %dma_wait3A_61 = arith.constant 0 : i32
        %dma_wait3A_62 = tpu.memref_slice %arg9[%add3A_47, %dma_wait3A_61] : memref<10000x128xf32, #tpu.memory_space<vmem_shared>> -> memref<80x128xf32, #tpu.memory_space<vmem_shared>>
        %dma_wait3A_63 = arith.constant 0 : i32
        %dma_wait3A_64 = arith.constant 0 : i32
        %dma_wait3A_65 = tpu.memref_slice %arg6[%dma_wait3A_63, %dma_wait3A_64] : memref<128x128xf32, #tpu.memory_space<vmem>> -> memref<80x128xf32, #tpu.memory_space<vmem>>
        tpu.wait_dma2 semaphore(%run_scoped3A : memref<!tpu.dma_semaphore, #tpu.memory_space<semaphore_mem>>) src(%dma_wait3A_65 : memref<80x128xf32, #tpu.memory_space<vmem>>) dst(%dma_wait3A_62 : memref<80x128xf32, #tpu.memory_space<vmem_shared>>)
        tpu.yield
      }) : () -> ()
    } else {
    }
    %barrier3A = arith.constant 0 : index
    tpu.barrier barrier_id(%barrier3A)
    "tpu.region"() ({
      %run_scoped3A = tpu.sem_alloc : memref<!tpu.dma_semaphore, #tpu.memory_space<semaphore_mem>>
      %dma_start3A = arith.constant 0 : i32
      %dma_start3A_30 = tpu.memref_slice %arg4[%arg0, %arg1, %dma_start3A] : memref<2x16x20096xf32, #tpu.memory_space<hbm>> -> memref<1x1x20096xf32, #tpu.memory_space<hbm>>
      %dma_start3A_31 = tpu.memref_squeeze %dma_start3A_30 : memref<1x1x20096xf32, #tpu.memory_space<hbm>> -> memref<20096xf32, #tpu.memory_space<hbm>>
      %dma_start3A_32 = arith.constant 0 : i32
      %dma_start3A_33 = tpu.memref_slice %arg4[%arg0, %arg1, %dma_start3A_32] : memref<2x16x20096xf32, #tpu.memory_space<hbm>> -> memref<1x1x20096xf32, #tpu.memory_space<hbm>>
      %dma_start3A_34 = tpu.memref_squeeze %dma_start3A_33 : memref<1x1x20096xf32, #tpu.memory_space<hbm>> -> memref<20096xf32, #tpu.memory_space<hbm>>
      tpu.enqueue_dma source(%dma_start3A_34 : memref<20096xf32, #tpu.memory_space<hbm>>) target(%arg8 : memref<20096xf32, #tpu.memory_space<vmem>>) target_semaphore(%run_scoped3A : memref<!tpu.dma_semaphore, #tpu.memory_space<semaphore_mem>>)
      %dma_wait3A = arith.constant 0 : i32
      %dma_wait3A_35 = tpu.memref_slice %arg4[%arg0, %arg1, %dma_wait3A] : memref<2x16x20096xf32, #tpu.memory_space<hbm>> -> memref<1x1x20096xf32, #tpu.memory_space<hbm>>
      %dma_wait3A_36 = tpu.memref_squeeze %dma_wait3A_35 : memref<1x1x20096xf32, #tpu.memory_space<hbm>> -> memref<20096xf32, #tpu.memory_space<hbm>>
      %dma_wait3A_37 = arith.constant 0 : i32
      %dma_wait3A_38 = tpu.memref_slice %arg4[%arg0, %arg1, %dma_wait3A_37] : memref<2x16x20096xf32, #tpu.memory_space<hbm>> -> memref<1x1x20096xf32, #tpu.memory_space<hbm>>
      %dma_wait3A_39 = tpu.memref_squeeze %dma_wait3A_38 : memref<1x1x20096xf32, #tpu.memory_space<hbm>> -> memref<20096xf32, #tpu.memory_space<hbm>>
      tpu.wait_dma2 semaphore(%run_scoped3A : memref<!tpu.dma_semaphore, #tpu.memory_space<semaphore_mem>>) src(%dma_wait3A_39 : memref<20096xf32, #tpu.memory_space<hbm>>) dst(%arg8 : memref<20096xf32, #tpu.memory_space<vmem>>)
      tpu.yield
    }) : () -> ()
    %scan3A_12 = arith.constant 0 : i32
    %scan3A_13 = arith.constant 0 : i32
    %scan3A_14 = arith.constant 157 : i32
    %scan3A_15 = arith.addi %scan3A_13, %scan3A_14 : i32
    %scan3A_16 = arith.constant 1 : i32
    %scan3A_17 = scf.for %scan3A_30 = %scan3A_13 to %scan3A_15 step %scan3A_16 iter_args(%scan3A_31 = %scan3A_12) -> (i32)  : i32 {
      "tpu.region"() ({
        %run_scoped3A = tpu.sem_alloc : memref<!tpu.dma_semaphore, #tpu.memory_space<semaphore_mem>>
        %dma_start3A = arith.constant 0 : i32
        %dma_start3A_33 = arith.constant 0 : i32
        %dma_start3A_34 = tpu.memref_slice %arg3[%arg0, %arg1, %scan3A_30, %dma_start3A, %dma_start3A_33] : memref<2x16x157x2x128xi32, #tpu.memory_space<hbm>> -> memref<1x1x1x2x128xi32, #tpu.memory_space<hbm>>
        %dma_start3A_35 = tpu.memref_squeeze %dma_start3A_34 : memref<1x1x1x2x128xi32, #tpu.memory_space<hbm>> -> memref<2x128xi32, #tpu.memory_space<hbm>>
        %dma_start3A_36 = arith.constant 0 : i32
        %dma_start3A_37 = arith.constant 0 : i32
        %dma_start3A_38 = tpu.memref_slice %arg3[%arg0, %arg1, %scan3A_30, %dma_start3A_36, %dma_start3A_37] : memref<2x16x157x2x128xi32, #tpu.memory_space<hbm>> -> memref<1x1x1x2x128xi32, #tpu.memory_space<hbm>>
        %dma_start3A_39 = tpu.memref_squeeze %dma_start3A_38 : memref<1x1x1x2x128xi32, #tpu.memory_space<hbm>> -> memref<2x128xi32, #tpu.memory_space<hbm>>
        tpu.enqueue_dma source(%dma_start3A_39 : memref<2x128xi32, #tpu.memory_space<hbm>>) target(%arg7 : memref<2x128xi32, #tpu.memory_space<vmem>>) target_semaphore(%run_scoped3A : memref<!tpu.dma_semaphore, #tpu.memory_space<semaphore_mem>>)
        %dma_wait3A = arith.constant 0 : i32
        %dma_wait3A_40 = arith.constant 0 : i32
        %dma_wait3A_41 = tpu.memref_slice %arg3[%arg0, %arg1, %scan3A_30, %dma_wait3A, %dma_wait3A_40] : memref<2x16x157x2x128xi32, #tpu.memory_space<hbm>> -> memref<1x1x1x2x128xi32, #tpu.memory_space<hbm>>
        %dma_wait3A_42 = tpu.memref_squeeze %dma_wait3A_41 : memref<1x1x1x2x128xi32, #tpu.memory_space<hbm>> -> memref<2x128xi32, #tpu.memory_space<hbm>>
        %dma_wait3A_43 = arith.constant 0 : i32
        %dma_wait3A_44 = arith.constant 0 : i32
        %dma_wait3A_45 = tpu.memref_slice %arg3[%arg0, %arg1, %scan3A_30, %dma_wait3A_43, %dma_wait3A_44] : memref<2x16x157x2x128xi32, #tpu.memory_space<hbm>> -> memref<1x1x1x2x128xi32, #tpu.memory_space<hbm>>
        %dma_wait3A_46 = tpu.memref_squeeze %dma_wait3A_45 : memref<1x1x1x2x128xi32, #tpu.memory_space<hbm>> -> memref<2x128xi32, #tpu.memory_space<hbm>>
        tpu.wait_dma2 semaphore(%run_scoped3A : memref<!tpu.dma_semaphore, #tpu.memory_space<semaphore_mem>>) src(%dma_wait3A_46 : memref<2x128xi32, #tpu.memory_space<hbm>>) dst(%arg7 : memref<2x128xi32, #tpu.memory_space<vmem>>)
        tpu.yield
      }) : () -> ()
      %scan3A_32 = arith.constant 0 : i32
      scf.yield %scan3A_32 : i32
    }
    %scan3A_18 = arith.constant 157 : i32
    %barrier3A_19 = arith.constant 0 : index
    tpu.barrier barrier_id(%barrier3A_19)
    %lt3A_20 = arith.constant 15 : i32
    %lt3A_21 = arith.cmpi slt, %arg1, %lt3A_20 : i32
    %convert_element_type3A_22 = arith.extui %lt3A_21 : i1 to i32
    %cond3A_23 = arith.constant 0 : i32
    %cond3A_24 = arith.cmpi ne, %convert_element_type3A_22, %cond3A_23 : i32
    scf.if %cond3A_24 {
      %mul3A = arith.constant 640 : i32
      %mul3A_30 = arith.muli %arg1, %mul3A : i32
      %mul3A_31 = arith.constant 640 : i32
      %mul3A_32 = arith.muli %arg1, %mul3A_31 : i32
      "tpu.region"() ({
        %run_scoped3A = tpu.sem_alloc : memref<!tpu.dma_semaphore, #tpu.memory_space<semaphore_mem>>
        %dma_start3A = arith.constant 0 : i32
        %dma_start3A_33 = tpu.memref_slice %arg5[%arg0, %mul3A_32, %dma_start3A] : memref<2x10000x128xf32, #tpu.memory_space<hbm>> -> memref<1x640x128xf32, #tpu.memory_space<hbm>>
        %dma_start3A_34 = tpu.memref_squeeze %dma_start3A_33 : memref<1x640x128xf32, #tpu.memory_space<hbm>> -> memref<640x128xf32, #tpu.memory_space<hbm>>
        %dma_start3A_35 = arith.constant 0 : i32
        %dma_start3A_36 = tpu.memref_slice %arg9[%mul3A_30, %dma_start3A_35] : memref<10000x128xf32, #tpu.memory_space<vmem_shared>> -> memref<640x128xf32, #tpu.memory_space<vmem_shared>>
        tpu.enqueue_dma source(%dma_start3A_36 : memref<640x128xf32, #tpu.memory_space<vmem_shared>>) target(%dma_start3A_34 : memref<640x128xf32, #tpu.memory_space<hbm>>) target_semaphore(%run_scoped3A : memref<!tpu.dma_semaphore, #tpu.memory_space<semaphore_mem>>)
        %dma_wait3A = arith.constant 0 : i32
        %dma_wait3A_37 = tpu.memref_slice %arg5[%arg0, %mul3A_32, %dma_wait3A] : memref<2x10000x128xf32, #tpu.memory_space<hbm>> -> memref<1x640x128xf32, #tpu.memory_space<hbm>>
        %dma_wait3A_38 = tpu.memref_squeeze %dma_wait3A_37 : memref<1x640x128xf32, #tpu.memory_space<hbm>> -> memref<640x128xf32, #tpu.memory_space<hbm>>
        %dma_wait3A_39 = arith.constant 0 : i32
        %dma_wait3A_40 = tpu.memref_slice %arg9[%mul3A_30, %dma_wait3A_39] : memref<10000x128xf32, #tpu.memory_space<vmem_shared>> -> memref<640x128xf32, #tpu.memory_space<vmem_shared>>
        tpu.wait_dma2 semaphore(%run_scoped3A : memref<!tpu.dma_semaphore, #tpu.memory_space<semaphore_mem>>) src(%dma_wait3A_40 : memref<640x128xf32, #tpu.memory_space<vmem_shared>>) dst(%dma_wait3A_38 : memref<640x128xf32, #tpu.memory_space<hbm>>)
        tpu.yield
      }) : () -> ()
    } else {
    }
    %eq3A_25 = arith.constant 15 : i32
    %eq3A_26 = arith.cmpi eq, %arg1, %eq3A_25 : i32
    %convert_element_type3A_27 = arith.extui %eq3A_26 : i1 to i32
    %cond3A_28 = arith.constant 0 : i32
    %cond3A_29 = arith.cmpi ne, %convert_element_type3A_27, %cond3A_28 : i32
    scf.if %cond3A_29 {
      "tpu.region"() ({
        %run_scoped3A = tpu.sem_alloc : memref<!tpu.dma_semaphore, #tpu.memory_space<semaphore_mem>>
        %dma_start3A = arith.constant 9600 : i32
        %dma_start3A_30 = arith.constant 0 : i32
        %dma_start3A_31 = tpu.memref_slice %arg5[%arg0, %dma_start3A, %dma_start3A_30] : memref<2x10000x128xf32, #tpu.memory_space<hbm>> -> memref<1x400x128xf32, #tpu.memory_space<hbm>>
        %dma_start3A_32 = tpu.memref_squeeze %dma_start3A_31 : memref<1x400x128xf32, #tpu.memory_space<hbm>> -> memref<400x128xf32, #tpu.memory_space<hbm>>
        %dma_start3A_33 = arith.constant 9600 : i32
        %dma_start3A_34 = arith.constant 0 : i32
        %dma_start3A_35 = tpu.memref_slice %arg9[%dma_start3A_33, %dma_start3A_34] : memref<10000x128xf32, #tpu.memory_space<vmem_shared>> -> memref<400x128xf32, #tpu.memory_space<vmem_shared>>
        tpu.enqueue_dma source(%dma_start3A_35 : memref<400x128xf32, #tpu.memory_space<vmem_shared>>) target(%dma_start3A_32 : memref<400x128xf32, #tpu.memory_space<hbm>>) target_semaphore(%run_scoped3A : memref<!tpu.dma_semaphore, #tpu.memory_space<semaphore_mem>>)
        %dma_wait3A = arith.constant 9600 : i32
        %dma_wait3A_36 = arith.constant 0 : i32
        %dma_wait3A_37 = tpu.memref_slice %arg5[%arg0, %dma_wait3A, %dma_wait3A_36] : memref<2x10000x128xf32, #tpu.memory_space<hbm>> -> memref<1x400x128xf32, #tpu.memory_space<hbm>>
        %dma_wait3A_38 = tpu.memref_squeeze %dma_wait3A_37 : memref<1x400x128xf32, #tpu.memory_space<hbm>> -> memref<400x128xf32, #tpu.memory_space<hbm>>
        %dma_wait3A_39 = arith.constant 9600 : i32
        %dma_wait3A_40 = arith.constant 0 : i32
        %dma_wait3A_41 = tpu.memref_slice %arg9[%dma_wait3A_39, %dma_wait3A_40] : memref<10000x128xf32, #tpu.memory_space<vmem_shared>> -> memref<400x128xf32, #tpu.memory_space<vmem_shared>>
        tpu.wait_dma2 semaphore(%run_scoped3A : memref<!tpu.dma_semaphore, #tpu.memory_space<semaphore_mem>>) src(%dma_wait3A_41 : memref<400x128xf32, #tpu.memory_space<vmem_shared>>) dst(%dma_wait3A_38 : memref<400x128xf32, #tpu.memory_space<hbm>>)
        tpu.yield
      }) : () -> ()
    } else {
    }
    return
  }
}

module attributes {stable_mosaic.version = 14 : i64} {
  func.func @_tc_readout_body(%arg0: i32, %arg1: memref<1000x128xf32, #tpu.memory_space<vmem>>, %arg2: memref<1000x128xf32, #tpu.memory_space<vmem>>, %arg3: memref<1000x128xf32, #tpu.memory_space<vmem>>, %arg4: memref<128x128xf32, #tpu.memory_space<vmem>>, %arg5: memref<1x128xf32, #tpu.memory_space<vmem>>, %arg6: memref<128x128xf32, #tpu.memory_space<vmem>>, %arg7: memref<1x128xf32, #tpu.memory_space<vmem>>, %arg8: memref<1x128xf32, #tpu.memory_space<vmem>>, %arg9: memref<1x128xf32, #tpu.memory_space<vmem>>, %arg10: memref<1x128xf32, #tpu.memory_space<vmem>>, %arg11: memref<1000x128xf32, #tpu.memory_space<vmem>>) attributes {dimension_semantics = [#tpu.dimension_semantics<arbitrary>], iteration_bounds = array<i64: 10>, scalar_prefetch = 0 : i64, scratch_operands = 0 : i64, tpu.core_type = #tpu.core_type<tc>, window_params = [{transform_indices = @transform_0, window_bounds = array<i64: 1000, 128>}, {transform_indices = @transform_1, window_bounds = array<i64: 1000, 128>}, {transform_indices = @transform_2, window_bounds = array<i64: 1000, 128>}, {pipeline_mode = #tpu.pipeline_mode<synchronous>, transform_indices = @transform_3, window_bounds = array<i64: 128, 128>}, {pipeline_mode = #tpu.pipeline_mode<synchronous>, transform_indices = @transform_4, window_bounds = array<i64: 1, 128>}, {pipeline_mode = #tpu.pipeline_mode<synchronous>, transform_indices = @transform_5, window_bounds = array<i64: 128, 128>}, {pipeline_mode = #tpu.pipeline_mode<synchronous>, transform_indices = @transform_6, window_bounds = array<i64: 1, 128>}, {pipeline_mode = #tpu.pipeline_mode<synchronous>, transform_indices = @transform_7, window_bounds = array<i64: 1, 128>}, {pipeline_mode = #tpu.pipeline_mode<synchronous>, transform_indices = @transform_8, window_bounds = array<i64: 1, 128>}, {pipeline_mode = #tpu.pipeline_mode<synchronous>, transform_indices = @transform_9, window_bounds = array<i64: 1, 128>}, {transform_indices = @transform_10, window_bounds = array<i64: 1000, 128>}]} {
    %get3A = arith.constant 0 : index
    %get3A_0 = arith.constant 0 : index
    %get3A_1 = vector.load %arg1[%get3A, %get3A_0] : memref<1000x128xf32, #tpu.memory_space<vmem>>, vector<1000x128xf32>
    %get3A_2 = arith.constant 0 : index
    %get3A_3 = arith.constant 0 : index
    %get3A_4 = vector.load %arg2[%get3A_2, %get3A_3] : memref<1000x128xf32, #tpu.memory_space<vmem>>, vector<1000x128xf32>
    %get3A_5 = arith.constant 0 : index
    %get3A_6 = arith.constant 0 : index
    %get3A_7 = vector.load %arg3[%get3A_5, %get3A_6] : memref<1000x128xf32, #tpu.memory_space<vmem>>, vector<1000x128xf32>
    %mul3A = arith.mulf %get3A_1, %get3A_4 : vector<1000x128xf32>
    %get3A_8 = arith.constant 0 : index
    %get3A_9 = arith.constant 0 : index
    %get3A_10 = vector.load %arg4[%get3A_8, %get3A_9] : memref<128x128xf32, #tpu.memory_space<vmem>>, vector<128x128xf32>
    %dot_general3A = arith.constant dense<0.000000e+00> : vector<1000x128xf32>
    %dot_general3A_11 = tpu.matmul %mul3A, %get3A_10, %dot_general3A {dimension_numbers = #tpu.dot_dimension_numbers<[1], [0], [0], [1], [0, 0, 1, 1], [], []>, transpose_lhs_hint = false} : vector<1000x128xf32>, vector<128x128xf32>, vector<1000x128xf32> -> vector<1000x128xf32>
    %get3A_12 = arith.constant 0 : index
    %get3A_13 = arith.constant 0 : index
    %get3A_14 = vector.load %arg5[%get3A_12, %get3A_13] : memref<1x128xf32, #tpu.memory_space<vmem>>, vector<1x128xf32>
    %add3A = vector.broadcast %get3A_14 : vector<1x128xf32> to vector<1000x128xf32>
    %add3A_15 = arith.addf %dot_general3A_11, %add3A : vector<1000x128xf32>
    %max3A = arith.constant 0.000000e+00 : f32
    %max3A_16 = vector.broadcast %max3A : f32 to vector<1000x128xf32>
    %max3A_17 = arith.maximumf %add3A_15, %max3A_16 : vector<1000x128xf32>
    %mul3A_18 = arith.mulf %get3A_1, %get3A_7 : vector<1000x128xf32>
    %get3A_19 = arith.constant 0 : index
    %get3A_20 = arith.constant 0 : index
    %get3A_21 = vector.load %arg6[%get3A_19, %get3A_20] : memref<128x128xf32, #tpu.memory_space<vmem>>, vector<128x128xf32>
    %dot_general3A_22 = arith.constant dense<0.000000e+00> : vector<1000x128xf32>
    %dot_general3A_23 = tpu.matmul %mul3A_18, %get3A_21, %dot_general3A_22 {dimension_numbers = #tpu.dot_dimension_numbers<[1], [0], [0], [1], [0, 0, 1, 1], [], []>, transpose_lhs_hint = false} : vector<1000x128xf32>, vector<128x128xf32>, vector<1000x128xf32> -> vector<1000x128xf32>
    %get3A_24 = arith.constant 0 : index
    %get3A_25 = arith.constant 0 : index
    %get3A_26 = vector.load %arg7[%get3A_24, %get3A_25] : memref<1x128xf32, #tpu.memory_space<vmem>>, vector<1x128xf32>
    %add3A_27 = vector.broadcast %get3A_26 : vector<1x128xf32> to vector<1000x128xf32>
    %add3A_28 = arith.addf %dot_general3A_23, %add3A_27 : vector<1000x128xf32>
    %max3A_29 = arith.constant 0.000000e+00 : f32
    %max3A_30 = vector.broadcast %max3A_29 : f32 to vector<1000x128xf32>
    %max3A_31 = arith.maximumf %add3A_28, %max3A_30 : vector<1000x128xf32>
    %reduce_sum3A = arith.constant dense<0.000000e+00> : vector<1000xf32>
    %reduce_sum3A_32 = vector.multi_reduction <add>, %max3A_17, %reduce_sum3A [1] : vector<1000x128xf32> to vector<1000xf32>
    %broadcast_in_dim3A = vector.shape_cast %reduce_sum3A_32 : vector<1000xf32> to vector<1000x1xf32>
    %mul3A_33 = arith.constant 0.0883883461 : f32
    %mul3A_34 = vector.broadcast %mul3A_33 : f32 to vector<1000x1xf32>
    %mul3A_35 = arith.mulf %broadcast_in_dim3A, %mul3A_34 : vector<1000x1xf32>
    %reduce_sum3A_36 = arith.constant dense<0.000000e+00> : vector<1000xf32>
    %reduce_sum3A_37 = vector.multi_reduction <add>, %max3A_31, %reduce_sum3A_36 [1] : vector<1000x128xf32> to vector<1000xf32>
    %broadcast_in_dim3A_38 = vector.shape_cast %reduce_sum3A_37 : vector<1000xf32> to vector<1000x1xf32>
    %mul3A_39 = arith.constant 0.0883883461 : f32
    %mul3A_40 = vector.broadcast %mul3A_39 : f32 to vector<1000x1xf32>
    %mul3A_41 = arith.mulf %broadcast_in_dim3A_38, %mul3A_40 : vector<1000x1xf32>
    %max3A_42 = arith.maximumf %mul3A_35, %mul3A_41 : vector<1000x1xf32>
    %sub3A = arith.subf %mul3A_35, %max3A_42 : vector<1000x1xf32>
    %exp3A = math.exp %sub3A : vector<1000x1xf32>
    %sub3A_43 = arith.subf %mul3A_41, %max3A_42 : vector<1000x1xf32>
    %exp3A_44 = math.exp %sub3A_43 : vector<1000x1xf32>
    %add3A_45 = arith.addf %exp3A, %exp3A_44 : vector<1000x1xf32>
    %div3A = arith.divf %exp3A, %add3A_45 : vector<1000x1xf32>
    %mul3A_46 = vector.broadcast %div3A : vector<1000x1xf32> to vector<1000x128xf32>
    %mul3A_47 = arith.mulf %get3A_4, %mul3A_46 : vector<1000x128xf32>
    %sub3A_48 = arith.constant 1.000000e+00 : f32
    %sub3A_49 = vector.broadcast %sub3A_48 : f32 to vector<1000x1xf32>
    %sub3A_50 = arith.subf %sub3A_49, %div3A : vector<1000x1xf32>
    %mul3A_51 = vector.broadcast %sub3A_50 : vector<1000x1xf32> to vector<1000x128xf32>
    %mul3A_52 = arith.mulf %get3A_7, %mul3A_51 : vector<1000x128xf32>
    %add3A_53 = arith.addf %mul3A_47, %mul3A_52 : vector<1000x128xf32>
    %get3A_54 = arith.constant 0 : index
    %get3A_55 = arith.constant 0 : index
    %get3A_56 = vector.load %arg8[%get3A_54, %get3A_55] : memref<1x128xf32, #tpu.memory_space<vmem>>, vector<1x128xf32>
    %mul3A_57 = vector.broadcast %get3A_56 : vector<1x128xf32> to vector<1000x128xf32>
    %mul3A_58 = arith.mulf %get3A_1, %mul3A_57 : vector<1000x128xf32>
    %get3A_59 = arith.constant 0 : index
    %get3A_60 = arith.constant 0 : index
    %get3A_61 = vector.load %arg9[%get3A_59, %get3A_60] : memref<1x128xf32, #tpu.memory_space<vmem>>, vector<1x128xf32>
    %mul3A_62 = vector.broadcast %get3A_61 : vector<1x128xf32> to vector<1000x128xf32>
    %mul3A_63 = arith.mulf %add3A_53, %mul3A_62 : vector<1000x128xf32>
    %add3A_64 = arith.addf %mul3A_58, %mul3A_63 : vector<1000x128xf32>
    %get3A_65 = arith.constant 0 : index
    %get3A_66 = arith.constant 0 : index
    %get3A_67 = vector.load %arg10[%get3A_65, %get3A_66] : memref<1x128xf32, #tpu.memory_space<vmem>>, vector<1x128xf32>
    %add3A_68 = vector.broadcast %get3A_67 : vector<1x128xf32> to vector<1000x128xf32>
    %add3A_69 = arith.addf %add3A_64, %add3A_68 : vector<1000x128xf32>
    %swap3A = arith.constant 0 : index
    %swap3A_70 = arith.constant 0 : index
    %swap3A_71 = vector.load %arg11[%swap3A, %swap3A_70] : memref<1000x128xf32, #tpu.memory_space<vmem>>, vector<1000x128xf32>
    tpu.vector_store %arg11[%swap3A, %swap3A_70], %add3A_69 {strides = array<i32>} : memref<1000x128xf32, #tpu.memory_space<vmem>>, vector<1000x128xf32>,
    return
  }
  func.func @transform_0(%arg0: i32) -> (i32, i32) {
    %c0_i32 = arith.constant 0 : i32
    %c0_i32_0 = arith.constant 0 : i32
    return %arg0, %c0_i32 : i32, i32
  }
  func.func @transform_1(%arg0: i32) -> (i32, i32) {
    %c0_i32 = arith.constant 0 : i32
    %c0_i32_0 = arith.constant 0 : i32
    return %arg0, %c0_i32 : i32, i32
  }
  func.func @transform_2(%arg0: i32) -> (i32, i32) {
    %c0_i32 = arith.constant 0 : i32
    %c0_i32_0 = arith.constant 0 : i32
    return %arg0, %c0_i32 : i32, i32
  }
  func.func @transform_3(%arg0: i32) -> (i32, i32) {
    %c0_i32 = arith.constant 0 : i32
    %c0_i32_0 = arith.constant 0 : i32
    %c0_i32_1 = arith.constant 0 : i32
    return %c0_i32, %c0_i32_0 : i32, i32
  }
  func.func @transform_4(%arg0: i32) -> (i32, i32) {
    %c0_i32 = arith.constant 0 : i32
    %c0_i32_0 = arith.constant 0 : i32
    %c0_i32_1 = arith.constant 0 : i32
    return %c0_i32, %c0_i32_0 : i32, i32
  }
  func.func @transform_5(%arg0: i32) -> (i32, i32) {
    %c0_i32 = arith.constant 0 : i32
    %c0_i32_0 = arith.constant 0 : i32
    %c0_i32_1 = arith.constant 0 : i32
    return %c0_i32, %c0_i32_0 : i32, i32
  }
  func.func @transform_6(%arg0: i32) -> (i32, i32) {
    %c0_i32 = arith.constant 0 : i32
    %c0_i32_0 = arith.constant 0 : i32
    %c0_i32_1 = arith.constant 0 : i32
    return %c0_i32, %c0_i32_0 : i32, i32
  }
  func.func @transform_7(%arg0: i32) -> (i32, i32) {
    %c0_i32 = arith.constant 0 : i32
    %c0_i32_0 = arith.constant 0 : i32
    %c0_i32_1 = arith.constant 0 : i32
    return %c0_i32, %c0_i32_0 : i32, i32
  }
  func.func @transform_8(%arg0: i32) -> (i32, i32) {
    %c0_i32 = arith.constant 0 : i32
    %c0_i32_0 = arith.constant 0 : i32
    %c0_i32_1 = arith.constant 0 : i32
    return %c0_i32, %c0_i32_0 : i32, i32
  }
  func.func @transform_9(%arg0: i32) -> (i32, i32) {
    %c0_i32 = arith.constant 0 : i32
    %c0_i32_0 = arith.constant 0 : i32
    %c0_i32_1 = arith.constant 0 : i32
    return %c0_i32, %c0_i32_0 : i32, i32
  }
  func.func @transform_10(%arg0: i32) -> (i32, i32) {
    %c0_i32 = arith.constant 0 : i32
    %c0_i32_0 = arith.constant 0 : i32
    return %arg0, %c0_i32 : i32, i32
  }
}

</mosaic_0001>

<sc_bundles>
// kernel: kernel.4.cloned.1.call-start
scs
__scs_entry_jumppad:
0x0: {  	(pc) =	sbr.rel $0x88, $3  }
0x1: {  	(tag) =	ssettag $0x0;
	lr =	simm.s32 $0x1  }
0x2: {  	[smem:$0x3F96] =	sst lr;
	_ =	strace $0xD0000000  }
0x3: {  	_ = 	snop  }
0x4: {  	_ = 	snop  }
0x5: {  	_ = 	snop  }
0x6: {  	_ = 	snop  }
0x7: {  	_ = 	snop  }
__scs_overlays_trampoline_lowered:
0x8: {  	[smem:$0x3FA5] =	sst s0  }
0x9: {  	[smem:$0x3FA6] =	sst s1  }
0xa: {  	[smem:$0x3FA7] =	sst s2  }
0xb: {  	[smem:$0x3FA8] =	sst s3  }
0xc: {  	[smem:$0x3FA9] =	sst s4  }
0xd: {  	[smem:$0x3FAA] =	sst s5  }
0xe: {  	[smem:$0x3FAB] =	sst s6  }
0xf: {  	[smem:$0x3FAC] =	sst s7  }
0x10: {  	[smem:$0x3FAD] =	sst s8  }
0x11: {  	[smem:$0x3FAE] =	sst s9;
	s0 =	simm.s32 @!p0 $0x0  }
0x12: {  	s1 =	sld [smem:$0x3F94];
	s0 =	simm.s32 @p0 $0x1  }
0x13: {  	[smem:$0x3FAF] =	sst s0;
	s0 =	simm.s32 @!p1 $0x0  }
0x14: {  	s2 =	sld [smem:$0x3F93];
	s0 =	simm.s32 @p1 $0x1  }
0x15: {  	[smem:$0x3FB0] =	sst s0;
	s0 =	simm.s32 @!p2 $0x0  }
0x16: {  	s3 =	sld [smem:$0x3FDB];
	s0 =	simm.s32 @p2 $0x1  }
0x17: {  	s4 =	simm.s32 $0x1BF5;
	[smem:$0x3FB2] =	sst s0  }
0x18: {  	s0 =	sld [smem:$0x3F95];
	_ =	swait.ge [sflag:s4], $0x0  }
0x19: {  	s7 =	sld [smem:$0x3F96]  }
0x1a: {  	s8 =	sadd.s32 $0xFFFFE003, lr  }
0x1b: {  	s9 =	sadd.s32 $0xFFFFFEF7, lr;
	s5 =	simm.s32 $0xFFFFFFFF;
	p2 =	slt.u32 s8, $0xFFFFF086  }
0x1c: {  	p1 =	slt.u32 s9, $0xF7A;
	s5 =	simm.s32 @!p2 $0x0  }
0x1d: {  	s5 =	simm.s32 @p1 $0x1;
	p0 =	seq.s32 s7, s2  }
0x1e: {  	s7 =	smul.u32 @!p0 $0xF7A, s2;
	p2 =	seq.s32 @!p0 s5, $0x0  }
0x1f: {  	s9 =	smul.u32 $0xF7A, s1;
	s8 =	simm.s32 @!p0 $0x1BF5;
	p2 =	por !p2, p0  }
0x20: {  	[sflag:s8] =	ssyncset.s32 @!p0 $0xFFFFF086;
	s6 =	sadd.s32 @!p0 s3, s7;
	s7 =	simm.s32 @!p0 $0x108  }
0x21: {  	s3 =	sadd.s32 s3, s9;
	s6 =	sadd.s32 @!p0 $0x88, s6;
	s7 =	simm.s32 @p2 $0x1082  }
0x22: {  	[simem:s7], [sflag:s8] =	dma.local @!p0 [hbm:s6], $0xF7A  }
0x23: {  	s9 =	sor.u32 $0xD0000000, s2;
	s6 =	simm.s32 $0x108;
	_ =	swait.ge @!p0 [sflag:s8], $0x0  }
0x24: {  	s3 =	sadd.s32 $0x88, s3;
	s6 =	simm.s32 @!p1 $0x1082;
	[sflag:s4] =	ssyncset.s32 $0xFFFFF086  }
0x25: {  	[simem:s6], [sflag:s4] =	dma.local [hbm:s3], $0xF7A  }
0x26: {  	[smem:$0x3F96] =	sst s1;
	(tag) =	ssettag s2;
	_ =	strace s9  }
0x27: {  	s1 =	sld [smem:$0x3FA6]  }
0x28: {  	s2 =	sld [smem:$0x3FA7]  }
0x29: {  	s4 =	sld [smem:$0x3FA9]  }
0x2a: {  	p0 =	seq.s32 s5, $0x0;
	s5 =	sld [smem:$0x3FAA]  }
0x2b: {  	s6 =	sld [smem:$0x3FAB]  }
0x2c: {  	s7 =	sld [smem:$0x3FAC]  }
0x2d: {  	s3 =	simm.s32 $0x108;
	s8 =	sld [smem:$0x3FAD]  }
0x2e: {  	s3 =	simm.s32 @!p0 $0x1082;
	s9 =	sld [smem:$0x3FAE]  }
0x2f: {  	lr =	sadd.s32 s0, s3;
	s0 =	sld [smem:$0x3FA5]  }
0x30: {  	s3 =	sld [smem:$0x3FA8]  }
0x31: {  	[smem:$0x3FB1] =	sst s10  }
0x32: {  	s10 =	sld [smem:$0x3FAF];
	_ =	sdelay $0x3  }
0x33: {  	p0 =	seq.s32 s10, $0x1;
	s10 =	sld [smem:$0x3FB1];
	_ =	sdelay $0x3  }
0x34: {  	[smem:$0x3FB1] =	sst s10  }
0x35: {  	s10 =	sld [smem:$0x3FB0];
	_ =	sdelay $0x3  }
0x36: {  	p1 =	seq.s32 s10, $0x1;
	s10 =	sld [smem:$0x3FB1];
	_ =	sdelay $0x3  }
0x37: {  	[smem:$0x3FB1] =	sst s10  }
0x38: {  	s10 =	sld [smem:$0x3FB2]  }
0x39: {  	_ = 	snop;
	(pc) =	sbr.ind lr, $3  }
0x3a: {  	_ = 	snop  }
0x3b: {  	_ = 	snop  }
0x3c: {  	p2 =	seq.s32 s10, $0x1;
	s10 =	sld [smem:$0x3FB1]  }
0x3d: {  	_ =	shalt  }
0x3e: {  	_ =	shalt  }
0x3f: {  	_ =	shalt  }
0x40: {  	_ =	shalt  }
0x41: {  	_ =	shalt  }
0x42: {  	_ =	shalt  }
0x43: {  	_ =	shalt  }
0x44: {  	_ =	shalt  }
0x45: {  	_ =	shalt  }
0x46: {  	_ =	shalt  }
0x47: {  	_ =	shalt  }
0x48: {  	_ =	shalt  }
0x49: {  	_ =	shalt  }
0x4a: {  	_ =	shalt  }
0x4b: {  	_ =	shalt  }
0x4c: {  	_ =	shalt  }
0x4d: {  	_ =	shalt  }
0x4e: {  	_ =	shalt  }
0x4f: {  	_ =	shalt  }
0x50: {  	_ =	shalt  }
0x51: {  	_ =	shalt  }
0x52: {  	_ =	shalt  }
0x53: {  	_ =	shalt  }
0x54: {  	_ =	shalt  }
0x55: {  	_ =	shalt  }
0x56: {  	_ =	shalt  }
0x57: {  	_ =	shalt  }
0x58: {  	_ =	shalt  }
0x59: {  	_ =	shalt  }
0x5a: {  	_ =	shalt  }
0x5b: {  	_ =	shalt  }
0x5c: {  	_ =	shalt  }
0x5d: {  	_ =	shalt  }
0x5e: {  	_ =	shalt  }
0x5f: {  	_ =	shalt  }
0x60: {  	_ =	shalt  }
0x61: {  	_ =	shalt  }
0x62: {  	_ =	shalt  }
0x63: {  	_ =	shalt  }
0x64: {  	_ =	shalt  }
0x65: {  	_ =	shalt  }
0x66: {  	_ =	shalt  }
0x67: {  	_ =	shalt  }
0x68: {  	_ =	shalt  }
0x69: {  	_ =	shalt  }
0x6a: {  	_ =	shalt  }
0x6b: {  	_ =	shalt  }
0x6c: {  	_ =	shalt  }
0x6d: {  	_ =	shalt  }
0x6e: {  	_ =	shalt  }
0x6f: {  	_ =	shalt  }
0x70: {  	_ =	shalt  }
0x71: {  	_ =	shalt  }
0x72: {  	_ =	shalt  }
0x73: {  	_ =	shalt  }
0x74: {  	_ =	shalt  }
0x75: {  	_ =	shalt  }
0x76: {  	_ =	shalt  }
0x77: {  	_ =	shalt  }
0x78: {  	_ =	shalt  }
0x79: {  	_ =	shalt  }
0x7a: {  	_ =	shalt  }
0x7b: {  	_ =	shalt  }
0x7c: {  	_ =	shalt  }
0x7d: {  	_ =	shalt  }
0x7e: {  	_ =	shalt  }
0x7f: {  	_ =	shalt  }
0x80: {  	_ =	shalt  }
0x81: {  	_ =	shalt  }
0x82: {  	_ =	shalt  }
0x83: {  	_ =	shalt  }
0x84: {  	_ =	shalt  }
0x85: {  	_ =	shalt  }
0x86: {  	_ =	shalt  }
0x87: {  	_ =	shalt  }
.Lfunc_end0:
.L_simem_size_0:
called_computation_lowered:
.L_overlay_start_0:
0x88: {  	s2 =	sld [smem:$0x3FD9]  }
0x89: {  	s3 =	sld [smem:$0x3FFE];
	_ =	sdelay $0x1  }
0x8a: {  	s1 =	srdreg.scid  }
0x8b: {  	s0 =	sand.u32 $0x1, s1  }
0x8c: {  	s17 =	sshll.u32 s0, $0xA;
	s2 =	sadd.s32 s3, s2  }
0x8d: {  	s2 =	sadd.s32 s2, s17  }
0x8e: {  	[smem:$0x3FBD] =	sst s2  }
0x8f: {  	_ = 	snop  }
0x90: {  	s2 =	sld [smem:$0x3FD0];
	(tm) =	ssettm $0x1  }
0x91: {  	s18 =	sld [smem:$0x3FFB];
	_ =	sdelay $0x3  }
0x92: {  	_ =	strace s18  }
0x93: {  	s3 =	sld [smem:$0x3FFC];
	_ =	sdelay $0x3  }
0x94: {  	_ =	strace s3  }
0x95: {  	s3 =	sld [smem:$0x3FFD];
	_ =	sdelay $0x3  }
0x96: {  	_ =	strace s3  }
0x97: {  	_ =	strace $0x8FFFFFFF  }
0x98: {  	s19 =	sld [smem:$0x3FDB];
	_ =	sdelay $0x1  }
0x99: {  	s4 =	simm.s32 $_scs_section_size  }
0x9a: {  	s5 =	simm.s32 $_size__tile_overlayer_lowered;
	s6 =	simm.s32 $_tile_overlayer_lowered  }
0x9b: {  	s22 =	simm.s32 $0x1BFF;
	s21 =	sshll.u32 s6, $0x1;
	s3 =	sadd.s32 s4, s19  }
0x9c: {  	s7 =	simm.s32 $0x0;
	s20 =	sshll.u32 s5, $0x1;
	s5 =	sadd.s32 s21, s3  }
0x9d: {  	[timem:s7], [sflag:s22] =	dma.local [hbm:s5], s20  }
0x9e: {  	_ =	swait.ge [sflag:s22], s20  }
0x9f: {  	s4 =	ssub.s32 $0x0, s20;
	[sflag:s22] =	ssyncset.done $0x0  }
0xa0: {  	[sflag:s22] =	ssyncadd.s32 s4;
	_ =	sdelay $0x1  }
0xa1: {  	s23 =	simm.s32 $0x1B8B  }
0xa2: {  	_ =	swait.ge [sflag:s23], $0x1  }
0xa3: {  	[sflag:s23] =	ssyncset.done $0x0  }
0xa4: {  	s25 =	simm.s32 $0x1B8E;
	s24 =	sld [smem:$0x3FFE];
	[sflag:s23] =	ssyncadd.s32 $0xFFFFFFFF  }
0xa5: {  	s26 =	simm.s32 $execute0_lowered;
	[smem:$0x3FD2] =	sst s25  }
0xa6: {  	s5 =	sshll.u32 s26, $0x1;
	_ =	strace $0x80000046;
	[dreg:$0x1] =	wrdreg $0xFFFFFFFF  }
0xa7: {  	s28 =	simm.s32 $_size_execute0_lowered;
	s3 =	sadd.s32 s3, s5;
	[dreg:$0x0] =	wrdreg $0x0  }
0xa8: {  	s5 =	sshll.u32 s28, $0x1;
	[dreg:$0x2] =	wrdreg s3  }
0xa9: {  	[dreg:$0x3] =	wrdreg s5  }
0xaa: {  	[dreg:$0x4] =	wrdreg $0xC0  }
0xab: {  	_ =	task [dreg:s7], $0x5FFFF  }
0xac: {  	[dreg:$0x1] =	wrdreg $0xFFFFFFFF  }
0xad: {  	[dreg:$0x0] =	wrdreg $0x60  }
0xae: {  	[dreg:$0x2] =	wrdreg s24  }
0xaf: {  	[dreg:$0x3] =	wrdreg s2  }
0xb0: {  	[dreg:$0x4] =	wrdreg $0x8F800  }
0xb1: {  	[dreg:$0x5] =	wrdreg $0x9  }
0xb2: {  	_ =	task.clear_ibuf [dreg:s7], $0x6FFFF;
	_ =	strace $0x90000046  }
0xb3: {  	s29 =	simm.s32 $0x9;
	_ =	strace $0x80000048  }
0xb4: {  	_ =	swait.ge [sflag:s29], $0x1  }
0xb5: {  	[sflag:s29] =	ssyncadd.s32 $0xFFFFFFFF  }
0xb6: {  	_ =	strace $0x90000048  }
0xb7: {  	_ =	sfence  }
0xb8: {  	s30 =	sld [smem:$0x0];
	_ =	sdelay $0x2  }
0xb9: {  	s31 =	sshll.u32 s1, $0xD;
	s1 =	sshrl.u32 s1, $0x2  }
0xba: {  	s3 =	sand.u32 $0x4000, s31;
	s1 =	sadd.s32 s1, s30  }
0xbb: {  	s0 =	sor.u32 s3, s0;
	s1 =	sshll.u32 s1, $0x11  }
0xbc: {  	s0 =	sor.u32 s1, s0  }
0xbd: {  	s0 =	sadd.s32 $0x8F2B, s0  }
0xbe: {  	[sflag:s0] =	ssyncadd.remote.s32 $0x1  }
0xbf: {  	_ =	sfence.sel $0xFFFF  }
0xc0: {  	[dreg:$0x0] =	wrdreg $0xFFFFFFFF;
	(pc) =	sbr.abs _section_cstart, $3  }
0xc1: {  	[dreg:$0x1] =	wrdreg $0xFFFFFFFF  }
0xc2: {  	_ =	task.clear_ibuf [dreg:s7], $0x2FFFF;
	_ =	strace $0x9FFFFFFF  }
0xc3: {  	(tm) =	ssettm $0x7FFFFFFF  }
tec
execute0_lowered:
.L_overlay_start_1:
0x0: {  	(tag) =	ssettag $0x1  }
0x1: {  	s4 =	rddreg [dreg:$0x0]  }
0x2: {  	s12 =	rddreg [dreg:$0x1];
	s0 =	srdreg.scid  }
0x3: {  	s13 =	rddreg [dreg:$0x2];
	s1 =	stileid.u32;
	s2 =	simm.s32 $0x0  }
0x4: {  	s14 =	sand.u32 $0x1, s0;
	s0 =	rddreg [dreg:$0x3];
	s5 =	smul.u32 $0x9D00, s1  }
0x5: {  	[smem:$0x7FF] =	sst s2;
	s6 =	smul.u32 $0x50000, s1  }
0x6: {  	s15 =	sadd.s32 $0x29A00, s4;
	s11 =	sshrl.u32 s1, $0x3;
	s20 =	sadd.s32 $0x12E800, s13  }
0x7: {  	s21 =	sshll.u32 s1, $0x7;
	s29 =	smul.u32 $0x14000, s1;
	s22 =	sadd.s32 $0x133800, s13  }
0x8: {  	s23 =	sadd.s32 $0x136000, s13;
	p0 =	seq.s32 s1, $0xF;
	s3 =	smul.u32 $0x9D000, s14  }
0x9: {  	_ =	strace $0x80000047;
	s26 =	ssub.s32 $0x2, s14;
	s18 =	smul.u32 $0x4E800, s14  }
0xa: {  	s19 =	smul.u32 $0x27400, s11;
	s11 =	sadd.s32 $0x12C000, s13;
	s28 =	sand.u32 $0x380, s21  }
0xb: {  	s14 =	smul.u32 $0x138800, s14;
	s21 =	sadd.s32 $0x131000, s13;
	s7 =	sshrl.u32 s26, $0x1  }
0xc: {  	s6 =	sshrl.u32 s6, $0x2;
	s3 =	sadd.s32 s5, s3;
	s17 =	ssub.s32 s26, s7  }
0xd: {  	s18 =	sadd.s32 s18, s19;
	s31 =	sadd.s32 s29, s14;
	s14 =	sshrl.u32 s14, $0x3  }
0xe: {  	s19 =	simm.s32 $0x400;
	s3 =	sshrl.u32 s3, $0x3;
	s18 =	sor.u32 s28, s18  }
0xf: {  	s14 =	sadd.s32 s15, s14;
	s16 =	sadd.s32 s3, s4;
	s3 =	sadd.s32 s6, s13  }
0x10: {  	s30 =	sshrl.u32 s18, $0x3;
	s13 =	sshrl.u32 s31, $0x3;
	s14 =	sadd.s32 $0x25800, s14  }
0x11: {  	s18 =	simm.s32 $0x80;
	s4 =	sadd.s32 $0x2800, s3;
	s5 =	sadd.s32 $0x5000, s3  }
0x12: {  	s6 =	sadd.s32 $0x7800, s3;
	s7 =	sadd.s32 $0xA000, s3;
	s8 =	sadd.s32 $0xC800, s3  }
0x13: {  	s9 =	sadd.s32 $0xF000, s3;
	s10 =	sadd.s32 $0x11800, s3;
	s12 =	sadd.s32 s12, s30  }
0x14: {  	s13 =	sadd.s32 s15, s13;
	s15 =	smax.u32 s17, $0x1;
	s16 =	sadd.s32 $0x2600, s16  }
0x15: {  	s17 =	simm.s32 $0x1;
	s6 =	smov.u32 @p0 s11;
	s7 =	smov.u32 @p0 s20  }
0x16: {  	s8 =	smov.u32 @p0 s21;
	s9 =	smov.u32 @p0 s22;
	s10 =	smov.u32 @p0 s23  }
0x17: {  	v0 =	vimm.f32 $0.0e+00;
	s20 =	simm.s32 $0x4100;
	s21 =	simm.s32 $0x4000;
	s22 =	simm.s32 $0x0  }
.LBB2_1:
0x18: {  	s23 =	simm.s32 $0x0;
	s24 =	simm.s32 $0x200  }
.LBB2_2:
0x19: {  	p1 =	sne.s32 s24, $0x9E00;
	[tilespmem:s23+$0x70] =	vst v0  }
0x1a: {  	[tilespmem:s23+$0x0] =	vst v0  }
0x1b: {  	[tilespmem:s23+$0x10] =	vst v0  }
.Ltmp0:
0x1c: {  	[tilespmem:s23+$0x20] =	vst v0;
	(pc) =	sbr.rel @p1 .LBB2_2-.Ltmp0, $4  }
0x1d: {  	[tilespmem:s23+$0x30] =	vst v0  }
0x1e: {  	[tilespmem:s23+$0x40] =	vst v0  }
0x1f: {  	[tilespmem:s23+$0x50] =	vst v0  }
0x20: {  	[tilespmem:s23+$0x60] =	vst v0;
	s23 =	sshra.s32 s24, $0x2;
	s24 =	sadd.s32 $0x200, s24  }
0x21: {  	[tilespmem:s23+$0x70] =	vst v0  }
0x22: {  	[tilespmem:s23+$0x0] =	vst v0  }
0x23: {  	[tilespmem:s23+$0x10] =	vst v0  }
0x24: {  	[tilespmem:s23+$0x20] =	vst v0  }
0x25: {  	[tilespmem:s23+$0x30] =	vst v0  }
0x26: {  	[tilespmem:s23+$0x40] =	vst v0  }
0x27: {  	[tilespmem:s23+$0x50] =	vst v0  }
0x28: {  	[tilespmem:s23+$0x60] =	vst v0;
	s23 =	simm.s32 @!p0 $0x0;
	s24 =	simm.s32 @!p0 $0x1  }
0x29: {  	[spmem:s3] =	stream.linear.scatter @!p0 [tilespmem:s23], [sflag:$0x1], $0x2800, $0x38;
	[tilespmem:$0x1C800] =	vst v63  }
0x2a: {  	_ =	swait.ge @!p0 [sflag:s24], $0x2800  }
0x2b: {  	[sflag:s24] =	ssyncset.done @!p0 $0x0  }
0x2c: {  	[sflag:s24] =	ssyncadd.s32 @!p0 $0xFFFFD800  }
0x2d: {  	[spmem:s4] =	stream.linear.scatter @!p0 [tilespmem:s23], [sflag:$0x1], $0x2800, $0x38;
	[tilespmem:$0x1C800] =	vst v63  }
0x2e: {  	_ =	swait.ge @!p0 [sflag:s24], $0x2800  }
0x2f: {  	[sflag:s24] =	ssyncset.done @!p0 $0x0  }
0x30: {  	[sflag:s24] =	ssyncadd.s32 @!p0 $0xFFFFD800  }
0x31: {  	[spmem:s5] =	stream.linear.scatter @!p0 [tilespmem:s23], [sflag:$0x1], $0x2800, $0x38;
	[tilespmem:$0x1C800] =	vst v63  }
0x32: {  	_ =	swait.ge @!p0 [sflag:s24], $0x2800  }
0x33: {  	[sflag:s24] =	ssyncset.done @!p0 $0x0  }
0x34: {  	s30 =	simm.s32 $0x0;
	[sflag:s24] =	ssyncadd.s32 @!p0 $0xFFFFD800  }
0x35: {  	[spmem:s6] =	stream.linear.scatter [tilespmem:s30], [sflag:$0x1], $0x2800, $0x38;
	[tilespmem:$0x1C800] =	vst v63  }
0x36: {  	_ =	swait.ge [sflag:s17], $0x2800  }
0x37: {  	[sflag:s17] =	ssyncset.done $0x0  }
0x38: {  	[sflag:s17] =	ssyncadd.s32 $0xFFFFD800  }
0x39: {  	[spmem:s7] =	stream.linear.scatter [tilespmem:s30], [sflag:$0x1], $0x2800, $0x38;
	[tilespmem:$0x1C800] =	vst v63  }
0x3a: {  	_ =	swait.ge [sflag:s17], $0x2800  }
0x3b: {  	[sflag:s17] =	ssyncset.done $0x0  }
0x3c: {  	[sflag:s17] =	ssyncadd.s32 $0xFFFFD800  }
0x3d: {  	[spmem:s8] =	stream.linear.scatter [tilespmem:s30], [sflag:$0x1], $0x2800, $0x38;
	[tilespmem:$0x1C800] =	vst v63  }
0x3e: {  	_ =	swait.ge [sflag:s17], $0x2800  }
0x3f: {  	[sflag:s17] =	ssyncset.done $0x0  }
0x40: {  	[sflag:s17] =	ssyncadd.s32 $0xFFFFD800  }
0x41: {  	[spmem:s9] =	stream.linear.scatter [tilespmem:s30], [sflag:$0x1], $0x2800, $0x38;
	[tilespmem:$0x1C800] =	vst v63  }
0x42: {  	_ =	swait.ge [sflag:s17], $0x2800  }
0x43: {  	[sflag:s17] =	ssyncset.done $0x0  }
0x44: {  	[sflag:s17] =	ssyncadd.s32 $0xFFFFD800  }
0x45: {  	[spmem:s10] =	stream.linear.scatter [tilespmem:s30], [sflag:$0x1], $0x2800, $0x38;
	[tilespmem:$0x1C800] =	vst v63  }
0x46: {  	_ =	swait.ge [sflag:s17], $0x2800  }
0x47: {  	[sflag:s17] =	ssyncset.done $0x0  }
0x48: {  	[sflag:s17] =	ssyncadd.s32 $0xFFFFD800  }
0x49: {  	[bflag:$0x0] =	sbarrier.arrive $0xFFFF  }
0x4a: {  	[tilespmem:s20], [sflag:$0x1] =	stream.strided.gather [hbm4b:s12+s18], $0x4E80, s19, s18, $0x38;
	[tilespmem:$0x1C800] =	vst v63  }
0x4b: {  	_ =	swait.ge [sflag:s17], $0x4E80  }
0x4c: {  	[sflag:s17] =	ssyncset.done $0x0  }
0x4d: {  	s31 =	sadd.s32 $0x0, s16;
	[sflag:s17] =	ssyncadd.s32 $0xFFFFB180  }
0x4e: {  	[tilespmem:s21], [sflag:$0x1] =	stream.linear.gather [hbm4b:s31+s2], $0x100, $0x38;
	[tilespmem:$0x1C800] =	vst v63  }
0x4f: {  	_ =	swait.ge [sflag:s17], $0x100  }
0x50: {  	s23 =	simm.s32 $0x20;
	[sflag:s17] =	ssyncset.done $0x0  }
.LBB2_4:
0x51: {  	s24 =	sadd.s32 s23, s16;
	[sflag:s17] =	ssyncadd.s32 $0xFFFFFF00;
	p1 =	sne.s32 s23, $0x1380  }
0x52: {  	[tilespmem:s21], [sflag:$0x1] =	stream.linear.gather [hbm4b:s24+s2], $0x100, $0x38;
	[tilespmem:$0x1C800] =	vst v63  }
.Ltmp1:
0x53: {  	_ = 	snop;
	(pc) =	sbr.rel @p1 .LBB2_4-.Ltmp1, $4  }
0x54: {  	_ = 	snop  }
0x55: {  	s23 =	sadd.s32 $0x20, s23  }
0x56: {  	_ =	swait.ge [sflag:s17], $0x100  }
0x57: {  	[sflag:s17] =	ssyncset.done $0x0  }
0x58: {  	[sflag:s17] =	ssyncadd.s32 $0xFFFFFF00  }
0x59: {  	s23 =	sshrl.u32 @p0 s11, $0x3;
	s24 =	simm.s32 @p0 $0x1FC1;
	[bflag:$0x0] =	sbarrier.arrive $0xFFFF  }
0x5a: {  	[hbm:s14], [sflag:s24] =	dma.local @p0 [spmem:s23], $0x1900  }
0x5b: {  	s23 =	simm.s32 @p0 $0x1  }
0x5c: {  	s22 =	sadd.s32 $0x1, s22;
	_ =	swait.ge @p0 [sflag:s23], $0x1900  }
0x5d: {  	p1 =	sne.s32 s22, s15;
	s24 =	sshll.u32 @!p0 s1, $0x6;
	[sflag:s23] =	ssyncset.done @p0 $0x0  }
0x5e: {  	[sflag:s23] =	ssyncadd.s32 @p0 $0xFFFFE700;
	s23 =	sor.u32 @!p0 $0x1C01, s24;
	s24 =	sshrl.u32 @!p0 s3, $0x3  }
0x5f: {  	[hbm:s13], [sflag:s23] =	dma.local @!p0 [spmem:s24], $0x2800  }
.Ltmp2:
0x60: {  	_ = 	snop;
	(pc) =	sbr.rel @p1 .LBB2_1-.Ltmp2, $4  }
0x61: {  	s23 =	simm.s32 @!p0 $0x1  }
0x62: {  	_ =	swait.ge @!p0 [sflag:s23], $0x2800  }
0x63: {  	[sflag:s23] =	ssyncset.done @!p0 $0x0  }
0x64: {  	[sflag:s23] =	ssyncadd.s32 @!p0 $0xFFFFD800  }
0x65: {  	_ =	sfence.sel $0x180000  }
0x66: {  	[bflag:$0x0] =	sbarrier.arrive $0xFFFF  }
0x67: {  	p0 =	sne.s32 s1, $0x0;
	_ =	strace $0x90000047  }
0x68: {  	s0 =	sadd.s32 @!p0 $0x100000, s0;
	[bflag:$0x2] =	sbarrier.arrive $0xFFFF  }
0x69: {  	[sflag:s0] =	ssyncadd.tile.s32 @!p0 $0x1;
	_ =	shalt  }
.Lfunc_end2:
_tile_overlayer_lowered:
.L_overlay_start_2:
0x6a: {  	(tag) =	ssettag $0x2  }
0x6b: {  	s0 =	rddreg [dreg:$0x0];
	s2 =	stileid.u32  }
0x6c: {  	s1 =	rddreg [dreg:$0x1];
	p0 =	sne.s32 s2, $0x0  }
0x6d: {  	s3 =	rddreg [dreg:$0x2];
	[bflag:$0x3] =	sbarrier.arrive $0xFFFF;
	s2 =	simm.s32 @!p0 $0x1C01  }
0x6e: {  	[timem:s3], [sflag:s2] =	dma.local @!p0 [hbm:s0], s1  }
0x6f: {  	s0 =	simm.s32 @!p0 $0x1  }
0x70: {  	_ =	swait.ge @!p0 [sflag:s0], s1  }
0x71: {  	s1 =	ssub.s32 @!p0 $0x0, s1;
	[sflag:s0] =	ssyncset.done @!p0 $0x0  }
0x72: {  	[sflag:s0] =	ssyncadd.s32 @!p0 s1  }
0x73: {  	[bflag:$0x3] =	sbarrier.arrive $0xFFFF  }
0x74: {  	_ =	shalt  }

</sc_bundles>
